<compile_context>
chip_gen: v7x
topology: tpu7x:2x2x1
jax: 0.10.2.dev20260603
libtpu: 0.0.44.dev20260713+nightly
codegen_flags: <defaults>
</compile_context>

<pallas_src>
import functools

import jax
import jax.numpy as jnp
import numpy as np
from jax import lax
from jax.experimental import pallas as pl
from jax.experimental.pallas import tpu as pltpu
from jax.experimental.pallas import tpu_sc as plsc

BATCH = 4096
SEQ = 200
D = 64
VOCAB = 1000000
L = 16
NC = 2
NS = 16
NW = NC * NS
B_PER_W = BATCH // NW
TOK_PER_W = B_PER_W * SEQ
SPLIT = 128
REST = SEQ - SPLIT

BLK = 32768
NBLK = -(-VOCAB // BLK)
VOCAB_PAD = NBLK * BLK

PERM = np.concatenate(
    [np.arange(0, 16), np.arange(32, 48),
     np.arange(16, 32), np.arange(48, 64)]
)


def _tc_transpose(table_t):
    Q = BLK // 4

    def rne(f):
        b = jax.lax.bitcast_convert_type(f, jnp.int32)
        return (b + 0x7FFF + ((b >> 16) & 1)) >> 16

    def body(x_ref, o_ref):
        x = x_ref[...]
        xl = jnp.concatenate(
            [x[0:32, i * Q : (i + 1) * Q] for i in range(4)], axis=0
        )
        xh = jnp.concatenate(
            [x[32:64, i * Q : (i + 1) * Q] for i in range(4)], axis=0
        )
        o_ref[...] = (rne(xl.T) & 0xFFFF) | (rne(xh.T) << 16)

    return pl.pallas_call(
        body,
        grid=(NBLK,),
        in_specs=[pl.BlockSpec((D, BLK), lambda i: (0, i))],
        out_shape=jax.ShapeDtypeStruct((VOCAB_PAD // 4, 2 * D), jnp.int32),
        out_specs=pl.BlockSpec((Q, 2 * D), lambda i: (i, 0)),
    )(table_t)


def _sc_gather_mean(token_ids_flat, table_lin):
    mesh = plsc.VectorSubcoreMesh(
        core_axis_name="c", subcore_axis_name="s", num_cores=NC, num_subcores=NS
    )
    NBUF = 8

    @functools.partial(
        pl.kernel,
        out_type=jax.ShapeDtypeStruct((BATCH, D), jnp.float32),
        mesh=mesh,
        compiler_params=pltpu.CompilerParams(
            use_tc_tiling_on_sc=False, needs_layout_passes=False
        ),
        scratch_types=[
            pltpu.VMEM((TOK_PER_W,), jnp.int32),
            [pltpu.VMEM((SEQ, D // 2), jnp.int32) for _ in range(NBUF)],
            pltpu.VMEM((B_PER_W, D), jnp.float32),
            [pltpu.SemaphoreType.DMA for _ in range(NBUF)],
        ],
    )
    def k(tok_hbm, table_hbm, out_hbm, idx_v, rows, out_v, sems):
        wid = lax.axis_index("s") * NC + lax.axis_index("c")
        base = wid * B_PER_W
        pltpu.sync_copy(tok_hbm.at[pl.ds(wid * TOK_PER_W, TOK_PER_W)], idx_v)

        sh = BLK.bit_length() - 3

        @plsc.parallel_loop(0, TOK_PER_W // L, unroll=8)
        def _remap(c):
            v = idx_v[pl.ds(c * L, L)]
            idx_v[pl.ds(c * L, L)] = (
                (v & ~(BLK - 1))
                + ((v & (BLK // 4 - 1)) << 2)
                + ((v & (BLK - 1)) >> sh)
            )

        def start(i, buf, sem):
            pltpu.async_copy(
                table_hbm.at[idx_v.at[pl.ds(i * SEQ, SPLIT)]],
                buf.at[pl.ds(0, SPLIT)],
                sem,
            )
            pltpu.async_copy(
                table_hbm.at[idx_v.at[pl.ds(i * SEQ + SPLIT, REST)]],
                buf.at[pl.ds(SPLIT, REST)],
                sem,
            )

        def drain(buf, sem):
            pltpu.make_async_copy(table_hbm.at[pl.ds(0, SEQ)], buf, sem).wait()

        for b in range(NBUF):
            start(b, rows[b], sems[b])

        mask_hi = jnp.full((L,), -65536, jnp.int32)

        def group_body(g, carry):
            i0 = g * NBUF
            for b in range(NBUF):
                i = i0 + b
                drain(rows[b], sems[b])
                buf = rows[b]

                @plsc.parallel_loop(
                    0,
                    SEQ,
                    unroll=8,
                    carry=tuple(
                        jnp.zeros((L,), jnp.float32) for _ in range(4)
                    ),
                )
                def acc(j, c):
                    out = []
                    for h in range(2):
                        v = buf[j, pl.ds(h * L, L)]
                        even = plsc.bitcast(v << 16, jnp.float32)
                        odd = plsc.bitcast(v & mask_hi, jnp.float32)
                        out.append(c[2 * h] + even)
                        out.append(c[2 * h + 1] + odd)
                    return tuple(out)

                scale = jnp.float32(1.0 / SEQ)
                for d in range(4):
                    out_v[i, pl.ds(d * L, L)] = acc[d] * scale

                @pl.when(g < B_PER_W // NBUF - 1)
                def _():
                    start(i + NBUF, rows[b], sems[b])

            return carry

        lax.fori_loop(0, B_PER_W // NBUF, group_body, 0)
        pltpu.sync_copy(out_v, out_hbm.at[pl.ds(base, B_PER_W)])

    return k(token_ids_flat, table_lin)


def _tc_linear(x, wt, b2):
    def mm(x_ref, w_ref, b_ref, o_ref):
        o_ref[...] = (
            jnp.dot(x_ref[...], w_ref[...], preferred_element_type=jnp.float32)
            + b_ref[...]
        )

    return pl.pallas_call(
        mm,
        out_shape=jax.ShapeDtypeStruct((BATCH, D), jnp.float32),
    )(x, wt, b2)


def kernel(token_ids, emb_table, W, b):
    table_lin = _tc_transpose(emb_table.T).reshape(VOCAB_PAD, D // 2)
    tok_flat = token_ids.astype(jnp.int32).reshape(BATCH * SEQ)
    x = _sc_gather_mean(tok_flat, table_lin)
    return _tc_linear(x, W.T[PERM, :], b.reshape(1, D))

# --- scband reference (transcript-rebuilt; emitter-appended) ---
"""Pipeline reference for scband-lightweight-encoder-81922206204304 (READ-ONLY COPY).

The authoritative reference and input builder live on the scoring server;
editing this copy changes nothing except your own understanding.
"""

import jax, jax.numpy as jnp
import numpy as np

VOCAB = 1000000
D_MODEL = 64
BATCH = 4096
SEQ = 200

def setup_inputs(seed: int = 0) -> dict:
    key = jax.random.key(seed)
    k_idx, k_emb, k_w, k_b = jax.random.split(key, 4)
    token_ids = jax.random.randint(k_idx, (BATCH, SEQ), 0, VOCAB, dtype=jnp.int64 if jax.config.jax_enable_x64 else jnp.int32)
    emb_table = jax.random.normal(k_emb, (VOCAB, D_MODEL), dtype=jnp.float32)
    # nn.Linear(d_model, d_model): weight [out, in], bias [out]
    bound = 1.0 / np.sqrt(D_MODEL)
    W = jax.random.uniform(k_w, (D_MODEL, D_MODEL), minval=-bound, maxval=bound, dtype=jnp.float32)
    b = jax.random.uniform(k_b, (D_MODEL,), minval=-bound, maxval=bound, dtype=jnp.float32)
    return {"token_ids": token_ids, "emb_table": emb_table, "W": W, "b": b}

def reference(token_ids, emb_table, W, b):
    # embedding lookup: (B, S, d)
    x = jnp.take(emb_table, token_ids, axis=0)
    # transpose(1,2) + AdaptiveAvgPool1d(1) + squeeze == mean over sequence axis
    x = jnp.mean(x, axis=1)
    # linear projection
    out = x @ W.T + b
    return out

if __name__ == "__main__":
    import jax
    _d = setup_inputs()
    print(jax.jit(kernel)(*tuple(_d.values())))

</pallas_src>

<mosaic_0001>
#map = affine_map<(d0, d1) -> (0)>
#map1 = affine_map<(d0, d1) -> (0, 0)>
module attributes {stable_mosaic.version = 14 : i64} {
  func.func @k(%arg0: i32, %arg1: i32, %arg2: memref<819200xi32, #tpu.memory_space<hbm>>, %arg3: memref<1015808x32xi32, #tpu.memory_space<hbm>>, %arg4: memref<4096x64xf32, #tpu.memory_space<hbm>>, %arg5: memref<25600xi32, #tpu.memory_space<vmem>>, %arg6: memref<200x32xi32, #tpu.memory_space<vmem>>, %arg7: memref<200x32xi32, #tpu.memory_space<vmem>>, %arg8: memref<200x32xi32, #tpu.memory_space<vmem>>, %arg9: memref<200x32xi32, #tpu.memory_space<vmem>>, %arg10: memref<200x32xi32, #tpu.memory_space<vmem>>, %arg11: memref<200x32xi32, #tpu.memory_space<vmem>>, %arg12: memref<200x32xi32, #tpu.memory_space<vmem>>, %arg13: memref<200x32xi32, #tpu.memory_space<vmem>>, %arg14: memref<128x64xf32, #tpu.memory_space<vmem>>, %arg15: memref<!tpu.dma_semaphore, #tpu.memory_space<semaphore_mem>>, %arg16: memref<!tpu.dma_semaphore, #tpu.memory_space<semaphore_mem>>, %arg17: memref<!tpu.dma_semaphore, #tpu.memory_space<semaphore_mem>>, %arg18: memref<!tpu.dma_semaphore, #tpu.memory_space<semaphore_mem>>, %arg19: memref<!tpu.dma_semaphore, #tpu.memory_space<semaphore_mem>>, %arg20: memref<!tpu.dma_semaphore, #tpu.memory_space<semaphore_mem>>, %arg21: memref<!tpu.dma_semaphore, #tpu.memory_space<semaphore_mem>>, %arg22: memref<!tpu.dma_semaphore, #tpu.memory_space<semaphore_mem>>) attributes {dimension_semantics = [#tpu.dimension_semantics<core_parallel>, #tpu.dimension_semantics<subcore_parallel>], iteration_bounds = array<i64: 2, 16>, scalar_prefetch = 0 : i64, scratch_operands = 18 : i64, tpu.core_type = #tpu.core_type<sc_vector_subcore>, window_params = [{transform_indices = #map}, {transform_indices = #map1}, {transform_indices = #map1}]} {
    %mul3A = arith.constant 2 : i32
    %mul3A_0 = arith.muli %arg1, %mul3A : i32
    %add3A = arith.addi %mul3A_0, %arg0 : i32
    %mul3A_1 = arith.constant 128 : i32
    %mul3A_2 = arith.muli %add3A, %mul3A_1 : i32
    %mul3A_3 = arith.constant 25600 : i32
    %mul3A_4 = arith.muli %add3A, %mul3A_3 : i32
    "tpu.region"() ({
      %run_scoped3A = tpu.sem_alloc : memref<!tpu.dma_semaphore, #tpu.memory_space<semaphore_mem>>
      %dma_start3A_140 = tpu.memref_slice %arg2[%mul3A_4] : memref<819200xi32, #tpu.memory_space<hbm>> -> memref<25600xi32, #tpu.memory_space<hbm>>
      %dma_start3A_141 = tpu.memref_slice %arg2[%mul3A_4] : memref<819200xi32, #tpu.memory_space<hbm>> -> memref<25600xi32, #tpu.memory_space<hbm>>
      tpu.enqueue_dma source(%dma_start3A_141 : memref<25600xi32, #tpu.memory_space<hbm>>) target(%arg5 : memref<25600xi32, #tpu.memory_space<vmem>>) target_semaphore(%run_scoped3A : memref<!tpu.dma_semaphore, #tpu.memory_space<semaphore_mem>>)
      %dma_wait3A = tpu.memref_slice %arg2[%mul3A_4] : memref<819200xi32, #tpu.memory_space<hbm>> -> memref<25600xi32, #tpu.memory_space<hbm>>
      %dma_wait3A_142 = tpu.memref_slice %arg2[%mul3A_4] : memref<819200xi32, #tpu.memory_space<hbm>> -> memref<25600xi32, #tpu.memory_space<hbm>>
      tpu.wait_dma2 semaphore(%run_scoped3A : memref<!tpu.dma_semaphore, #tpu.memory_space<semaphore_mem>>) src(%dma_wait3A_142 : memref<25600xi32, #tpu.memory_space<hbm>>) dst(%arg5 : memref<25600xi32, #tpu.memory_space<vmem>>)
      tpu.yield
    }) : () -> ()
    %parallel_loop3A = arith.constant 0 : i32
    %parallel_loop3A_5 = arith.constant 1600 : i32
    %parallel_loop3A_6 = arith.constant 1 : i32
    scf.for %parallel_loop3A_140 = %parallel_loop3A to %parallel_loop3A_5 step %parallel_loop3A_6  : i32 {
      %parallel_loop3A_141 = arith.constant 16 : i32
      %parallel_loop3A_142 = arith.muli %parallel_loop3A_140, %parallel_loop3A_141 : i32
      %parallel_loop3A_143 = arith.index_cast %parallel_loop3A_142 : i32 to index
      %parallel_loop3A_144 = tpu.vector_load %arg5[%parallel_loop3A_143] {strides = array<i32>} : memref<25600xi32, #tpu.memory_space<vmem>>, vector<16xi32>,
      %parallel_loop3A_145 = arith.constant -32768 : i32
      %parallel_loop3A_146 = vector.broadcast %parallel_loop3A_145 : i32 to vector<16xi32>
      %parallel_loop3A_147 = arith.andi %parallel_loop3A_144, %parallel_loop3A_146 : vector<16xi32>
      %parallel_loop3A_148 = arith.constant 8191 : i32
      %parallel_loop3A_149 = vector.broadcast %parallel_loop3A_148 : i32 to vector<16xi32>
      %parallel_loop3A_150 = arith.andi %parallel_loop3A_144, %parallel_loop3A_149 : vector<16xi32>
      %parallel_loop3A_151 = arith.constant 2 : i32
      %parallel_loop3A_152 = vector.broadcast %parallel_loop3A_151 : i32 to vector<16xi32>
      %parallel_loop3A_153 = arith.shli %parallel_loop3A_150, %parallel_loop3A_152 : vector<16xi32>
      %parallel_loop3A_154 = arith.addi %parallel_loop3A_147, %parallel_loop3A_153 : vector<16xi32>
      %parallel_loop3A_155 = arith.constant 32767 : i32
      %parallel_loop3A_156 = vector.broadcast %parallel_loop3A_155 : i32 to vector<16xi32>
      %parallel_loop3A_157 = arith.andi %parallel_loop3A_144, %parallel_loop3A_156 : vector<16xi32>
      %parallel_loop3A_158 = arith.constant 13 : i32
      %parallel_loop3A_159 = vector.broadcast %parallel_loop3A_158 : i32 to vector<16xi32>
      %parallel_loop3A_160 = arith.shrsi %parallel_loop3A_157, %parallel_loop3A_159 : vector<16xi32>
      %parallel_loop3A_161 = arith.addi %parallel_loop3A_154, %parallel_loop3A_160 : vector<16xi32>
      %parallel_loop3A_162 = arith.constant 16 : i32
      %parallel_loop3A_163 = arith.muli %parallel_loop3A_140, %parallel_loop3A_162 : i32
      %parallel_loop3A_164 = arith.index_cast %parallel_loop3A_163 : i32 to index
      %parallel_loop3A_165 = tpu.vector_load %arg5[%parallel_loop3A_164] {strides = array<i32>} : memref<25600xi32, #tpu.memory_space<vmem>>, vector<16xi32>,
      tpu.vector_store %arg5[%parallel_loop3A_164], %parallel_loop3A_161 {strides = array<i32>} : memref<25600xi32, #tpu.memory_space<vmem>>, vector<16xi32>,
    } {sc.loop_unroll_factor = 8 : i64, sc.parallel_access}
    %dma_start3A = arith.constant 0 : i32
    %dma_start3A_7 = arith.constant 0 : i32
    %dma_start3A_8 = tpu.memref_slice %arg6[%dma_start3A, %dma_start3A_7] : memref<200x32xi32, #tpu.memory_space<vmem>> -> memref<128x32xi32, #tpu.memory_space<vmem>>
    %dma_start3A_9 = arith.constant 0 : i32
    %dma_start3A_10 = tpu.memref_slice %arg5[%dma_start3A_9] : memref<25600xi32, #tpu.memory_space<vmem>> -> memref<128xi32, #tpu.memory_space<vmem>>
    %dma_start3A_11 = arith.constant 0 : i32
    %dma_start3A_12 = arith.constant 0 : i32
    %dma_start3A_13 = tpu.memref_slice %arg3[%dma_start3A_11, %dma_start3A_12] : memref<1015808x32xi32, #tpu.memory_space<hbm>> -> memref<1015808x32xi32, #tpu.memory_space<hbm>>
    tpu.enqueue_indirect_dma source(%dma_start3A_13 : memref<1015808x32xi32, #tpu.memory_space<hbm>>) target(%dma_start3A_8 : memref<128x32xi32, #tpu.memory_space<vmem>>) offsets(%dma_start3A_10 : memref<128xi32, #tpu.memory_space<vmem>>) semaphore(%arg15 : memref<!tpu.dma_semaphore, #tpu.memory_space<semaphore_mem>>)
    %dma_start3A_14 = arith.constant 128 : i32
    %dma_start3A_15 = arith.constant 0 : i32
    %dma_start3A_16 = tpu.memref_slice %arg6[%dma_start3A_14, %dma_start3A_15] : memref<200x32xi32, #tpu.memory_space<vmem>> -> memref<72x32xi32, #tpu.memory_space<vmem>>
    %dma_start3A_17 = arith.constant 128 : i32
    %dma_start3A_18 = tpu.memref_slice %arg5[%dma_start3A_17] : memref<25600xi32, #tpu.memory_space<vmem>> -> memref<72xi32, #tpu.memory_space<vmem>>
    %dma_start3A_19 = arith.constant 0 : i32
    %dma_start3A_20 = arith.constant 0 : i32
    %dma_start3A_21 = tpu.memref_slice %arg3[%dma_start3A_19, %dma_start3A_20] : memref<1015808x32xi32, #tpu.memory_space<hbm>> -> memref<1015808x32xi32, #tpu.memory_space<hbm>>
    tpu.enqueue_indirect_dma source(%dma_start3A_21 : memref<1015808x32xi32, #tpu.memory_space<hbm>>) target(%dma_start3A_16 : memref<72x32xi32, #tpu.memory_space<vmem>>) offsets(%dma_start3A_18 : memref<72xi32, #tpu.memory_space<vmem>>) semaphore(%arg15 : memref<!tpu.dma_semaphore, #tpu.memory_space<semaphore_mem>>)
    %dma_start3A_22 = arith.constant 0 : i32
    %dma_start3A_23 = arith.constant 0 : i32
    %dma_start3A_24 = tpu.memref_slice %arg7[%dma_start3A_22, %dma_start3A_23] : memref<200x32xi32, #tpu.memory_space<vmem>> -> memref<128x32xi32, #tpu.memory_space<vmem>>
    %dma_start3A_25 = arith.constant 200 : i32
    %dma_start3A_26 = tpu.memref_slice %arg5[%dma_start3A_25] : memref<25600xi32, #tpu.memory_space<vmem>> -> memref<128xi32, #tpu.memory_space<vmem>>
    %dma_start3A_27 = arith.constant 0 : i32
    %dma_start3A_28 = arith.constant 0 : i32
    %dma_start3A_29 = tpu.memref_slice %arg3[%dma_start3A_27, %dma_start3A_28] : memref<1015808x32xi32, #tpu.memory_space<hbm>> -> memref<1015808x32xi32, #tpu.memory_space<hbm>>
    tpu.enqueue_indirect_dma source(%dma_start3A_29 : memref<1015808x32xi32, #tpu.memory_space<hbm>>) target(%dma_start3A_24 : memref<128x32xi32, #tpu.memory_space<vmem>>) offsets(%dma_start3A_26 : memref<128xi32, #tpu.memory_space<vmem>>) semaphore(%arg16 : memref<!tpu.dma_semaphore, #tpu.memory_space<semaphore_mem>>)
    %dma_start3A_30 = arith.constant 128 : i32
    %dma_start3A_31 = arith.constant 0 : i32
    %dma_start3A_32 = tpu.memref_slice %arg7[%dma_start3A_30, %dma_start3A_31] : memref<200x32xi32, #tpu.memory_space<vmem>> -> memref<72x32xi32, #tpu.memory_space<vmem>>
    %dma_start3A_33 = arith.constant 328 : i32
    %dma_start3A_34 = tpu.memref_slice %arg5[%dma_start3A_33] : memref<25600xi32, #tpu.memory_space<vmem>> -> memref<72xi32, #tpu.memory_space<vmem>>
    %dma_start3A_35 = arith.constant 0 : i32
    %dma_start3A_36 = arith.constant 0 : i32
    %dma_start3A_37 = tpu.memref_slice %arg3[%dma_start3A_35, %dma_start3A_36] : memref<1015808x32xi32, #tpu.memory_space<hbm>> -> memref<1015808x32xi32, #tpu.memory_space<hbm>>
    tpu.enqueue_indirect_dma source(%dma_start3A_37 : memref<1015808x32xi32, #tpu.memory_space<hbm>>) target(%dma_start3A_32 : memref<72x32xi32, #tpu.memory_space<vmem>>) offsets(%dma_start3A_34 : memref<72xi32, #tpu.memory_space<vmem>>) semaphore(%arg16 : memref<!tpu.dma_semaphore, #tpu.memory_space<semaphore_mem>>)
    %dma_start3A_38 = arith.constant 0 : i32
    %dma_start3A_39 = arith.constant 0 : i32
    %dma_start3A_40 = tpu.memref_slice %arg8[%dma_start3A_38, %dma_start3A_39] : memref<200x32xi32, #tpu.memory_space<vmem>> -> memref<128x32xi32, #tpu.memory_space<vmem>>
    %dma_start3A_41 = arith.constant 400 : i32
    %dma_start3A_42 = tpu.memref_slice %arg5[%dma_start3A_41] : memref<25600xi32, #tpu.memory_space<vmem>> -> memref<128xi32, #tpu.memory_space<vmem>>
    %dma_start3A_43 = arith.constant 0 : i32
    %dma_start3A_44 = arith.constant 0 : i32
    %dma_start3A_45 = tpu.memref_slice %arg3[%dma_start3A_43, %dma_start3A_44] : memref<1015808x32xi32, #tpu.memory_space<hbm>> -> memref<1015808x32xi32, #tpu.memory_space<hbm>>
    tpu.enqueue_indirect_dma source(%dma_start3A_45 : memref<1015808x32xi32, #tpu.memory_space<hbm>>) target(%dma_start3A_40 : memref<128x32xi32, #tpu.memory_space<vmem>>) offsets(%dma_start3A_42 : memref<128xi32, #tpu.memory_space<vmem>>) semaphore(%arg17 : memref<!tpu.dma_semaphore, #tpu.memory_space<semaphore_mem>>)
    %dma_start3A_46 = arith.constant 128 : i32
    %dma_start3A_47 = arith.constant 0 : i32
    %dma_start3A_48 = tpu.memref_slice %arg8[%dma_start3A_46, %dma_start3A_47] : memref<200x32xi32, #tpu.memory_space<vmem>> -> memref<72x32xi32, #tpu.memory_space<vmem>>
    %dma_start3A_49 = arith.constant 528 : i32
    %dma_start3A_50 = tpu.memref_slice %arg5[%dma_start3A_49] : memref<25600xi32, #tpu.memory_space<vmem>> -> memref<72xi32, #tpu.memory_space<vmem>>
    %dma_start3A_51 = arith.constant 0 : i32
    %dma_start3A_52 = arith.constant 0 : i32
    %dma_start3A_53 = tpu.memref_slice %arg3[%dma_start3A_51, %dma_start3A_52] : memref<1015808x32xi32, #tpu.memory_space<hbm>> -> memref<1015808x32xi32, #tpu.memory_space<hbm>>
    tpu.enqueue_indirect_dma source(%dma_start3A_53 : memref<1015808x32xi32, #tpu.memory_space<hbm>>) target(%dma_start3A_48 : memref<72x32xi32, #tpu.memory_space<vmem>>) offsets(%dma_start3A_50 : memref<72xi32, #tpu.memory_space<vmem>>) semaphore(%arg17 : memref<!tpu.dma_semaphore, #tpu.memory_space<semaphore_mem>>)
    %dma_start3A_54 = arith.constant 0 : i32
    %dma_start3A_55 = arith.constant 0 : i32
    %dma_start3A_56 = tpu.memref_slice %arg9[%dma_start3A_54, %dma_start3A_55] : memref<200x32xi32, #tpu.memory_space<vmem>> -> memref<128x32xi32, #tpu.memory_space<vmem>>
    %dma_start3A_57 = arith.constant 600 : i32
    %dma_start3A_58 = tpu.memref_slice %arg5[%dma_start3A_57] : memref<25600xi32, #tpu.memory_space<vmem>> -> memref<128xi32, #tpu.memory_space<vmem>>
    %dma_start3A_59 = arith.constant 0 : i32
    %dma_start3A_60 = arith.constant 0 : i32
    %dma_start3A_61 = tpu.memref_slice %arg3[%dma_start3A_59, %dma_start3A_60] : memref<1015808x32xi32, #tpu.memory_space<hbm>> -> memref<1015808x32xi32, #tpu.memory_space<hbm>>
    tpu.enqueue_indirect_dma source(%dma_start3A_61 : memref<1015808x32xi32, #tpu.memory_space<hbm>>) target(%dma_start3A_56 : memref<128x32xi32, #tpu.memory_space<vmem>>) offsets(%dma_start3A_58 : memref<128xi32, #tpu.memory_space<vmem>>) semaphore(%arg18 : memref<!tpu.dma_semaphore, #tpu.memory_space<semaphore_mem>>)
    %dma_start3A_62 = arith.constant 128 : i32
    %dma_start3A_63 = arith.constant 0 : i32
    %dma_start3A_64 = tpu.memref_slice %arg9[%dma_start3A_62, %dma_start3A_63] : memref<200x32xi32, #tpu.memory_space<vmem>> -> memref<72x32xi32, #tpu.memory_space<vmem>>
    %dma_start3A_65 = arith.constant 728 : i32
    %dma_start3A_66 = tpu.memref_slice %arg5[%dma_start3A_65] : memref<25600xi32, #tpu.memory_space<vmem>> -> memref<72xi32, #tpu.memory_space<vmem>>
    %dma_start3A_67 = arith.constant 0 : i32
    %dma_start3A_68 = arith.constant 0 : i32
    %dma_start3A_69 = tpu.memref_slice %arg3[%dma_start3A_67, %dma_start3A_68] : memref<1015808x32xi32, #tpu.memory_space<hbm>> -> memref<1015808x32xi32, #tpu.memory_space<hbm>>
    tpu.enqueue_indirect_dma source(%dma_start3A_69 : memref<1015808x32xi32, #tpu.memory_space<hbm>>) target(%dma_start3A_64 : memref<72x32xi32, #tpu.memory_space<vmem>>) offsets(%dma_start3A_66 : memref<72xi32, #tpu.memory_space<vmem>>) semaphore(%arg18 : memref<!tpu.dma_semaphore, #tpu.memory_space<semaphore_mem>>)
    %dma_start3A_70 = arith.constant 0 : i32
    %dma_start3A_71 = arith.constant 0 : i32
    %dma_start3A_72 = tpu.memref_slice %arg10[%dma_start3A_70, %dma_start3A_71] : memref<200x32xi32, #tpu.memory_space<vmem>> -> memref<128x32xi32, #tpu.memory_space<vmem>>
    %dma_start3A_73 = arith.constant 800 : i32
    %dma_start3A_74 = tpu.memref_slice %arg5[%dma_start3A_73] : memref<25600xi32, #tpu.memory_space<vmem>> -> memref<128xi32, #tpu.memory_space<vmem>>
    %dma_start3A_75 = arith.constant 0 : i32
    %dma_start3A_76 = arith.constant 0 : i32
    %dma_start3A_77 = tpu.memref_slice %arg3[%dma_start3A_75, %dma_start3A_76] : memref<1015808x32xi32, #tpu.memory_space<hbm>> -> memref<1015808x32xi32, #tpu.memory_space<hbm>>
    tpu.enqueue_indirect_dma source(%dma_start3A_77 : memref<1015808x32xi32, #tpu.memory_space<hbm>>) target(%dma_start3A_72 : memref<128x32xi32, #tpu.memory_space<vmem>>) offsets(%dma_start3A_74 : memref<128xi32, #tpu.memory_space<vmem>>) semaphore(%arg19 : memref<!tpu.dma_semaphore, #tpu.memory_space<semaphore_mem>>)
    %dma_start3A_78 = arith.constant 128 : i32
    %dma_start3A_79 = arith.constant 0 : i32
    %dma_start3A_80 = tpu.memref_slice %arg10[%dma_start3A_78, %dma_start3A_79] : memref<200x32xi32, #tpu.memory_space<vmem>> -> memref<72x32xi32, #tpu.memory_space<vmem>>
    %dma_start3A_81 = arith.constant 928 : i32
    %dma_start3A_82 = tpu.memref_slice %arg5[%dma_start3A_81] : memref<25600xi32, #tpu.memory_space<vmem>> -> memref<72xi32, #tpu.memory_space<vmem>>
    %dma_start3A_83 = arith.constant 0 : i32
    %dma_start3A_84 = arith.constant 0 : i32
    %dma_start3A_85 = tpu.memref_slice %arg3[%dma_start3A_83, %dma_start3A_84] : memref<1015808x32xi32, #tpu.memory_space<hbm>> -> memref<1015808x32xi32, #tpu.memory_space<hbm>>
    tpu.enqueue_indirect_dma source(%dma_start3A_85 : memref<1015808x32xi32, #tpu.memory_space<hbm>>) target(%dma_start3A_80 : memref<72x32xi32, #tpu.memory_space<vmem>>) offsets(%dma_start3A_82 : memref<72xi32, #tpu.memory_space<vmem>>) semaphore(%arg19 : memref<!tpu.dma_semaphore, #tpu.memory_space<semaphore_mem>>)
    %dma_start3A_86 = arith.constant 0 : i32
    %dma_start3A_87 = arith.constant 0 : i32
    %dma_start3A_88 = tpu.memref_slice %arg11[%dma_start3A_86, %dma_start3A_87] : memref<200x32xi32, #tpu.memory_space<vmem>> -> memref<128x32xi32, #tpu.memory_space<vmem>>
    %dma_start3A_89 = arith.constant 1000 : i32
    %dma_start3A_90 = tpu.memref_slice %arg5[%dma_start3A_89] : memref<25600xi32, #tpu.memory_space<vmem>> -> memref<128xi32, #tpu.memory_space<vmem>>
    %dma_start3A_91 = arith.constant 0 : i32
    %dma_start3A_92 = arith.constant 0 : i32
    %dma_start3A_93 = tpu.memref_slice %arg3[%dma_start3A_91, %dma_start3A_92] : memref<1015808x32xi32, #tpu.memory_space<hbm>> -> memref<1015808x32xi32, #tpu.memory_space<hbm>>
    tpu.enqueue_indirect_dma source(%dma_start3A_93 : memref<1015808x32xi32, #tpu.memory_space<hbm>>) target(%dma_start3A_88 : memref<128x32xi32, #tpu.memory_space<vmem>>) offsets(%dma_start3A_90 : memref<128xi32, #tpu.memory_space<vmem>>) semaphore(%arg20 : memref<!tpu.dma_semaphore, #tpu.memory_space<semaphore_mem>>)
    %dma_start3A_94 = arith.constant 128 : i32
    %dma_start3A_95 = arith.constant 0 : i32
    %dma_start3A_96 = tpu.memref_slice %arg11[%dma_start3A_94, %dma_start3A_95] : memref<200x32xi32, #tpu.memory_space<vmem>> -> memref<72x32xi32, #tpu.memory_space<vmem>>
    %dma_start3A_97 = arith.constant 1128 : i32
    %dma_start3A_98 = tpu.memref_slice %arg5[%dma_start3A_97] : memref<25600xi32, #tpu.memory_space<vmem>> -> memref<72xi32, #tpu.memory_space<vmem>>
    %dma_start3A_99 = arith.constant 0 : i32
    %dma_start3A_100 = arith.constant 0 : i32
    %dma_start3A_101 = tpu.memref_slice %arg3[%dma_start3A_99, %dma_start3A_100] : memref<1015808x32xi32, #tpu.memory_space<hbm>> -> memref<1015808x32xi32, #tpu.memory_space<hbm>>
    tpu.enqueue_indirect_dma source(%dma_start3A_101 : memref<1015808x32xi32, #tpu.memory_space<hbm>>) target(%dma_start3A_96 : memref<72x32xi32, #tpu.memory_space<vmem>>) offsets(%dma_start3A_98 : memref<72xi32, #tpu.memory_space<vmem>>) semaphore(%arg20 : memref<!tpu.dma_semaphore, #tpu.memory_space<semaphore_mem>>)
    %dma_start3A_102 = arith.constant 0 : i32
    %dma_start3A_103 = arith.constant 0 : i32
    %dma_start3A_104 = tpu.memref_slice %arg12[%dma_start3A_102, %dma_start3A_103] : memref<200x32xi32, #tpu.memory_space<vmem>> -> memref<128x32xi32, #tpu.memory_space<vmem>>
    %dma_start3A_105 = arith.constant 1200 : i32
    %dma_start3A_106 = tpu.memref_slice %arg5[%dma_start3A_105] : memref<25600xi32, #tpu.memory_space<vmem>> -> memref<128xi32, #tpu.memory_space<vmem>>
    %dma_start3A_107 = arith.constant 0 : i32
    %dma_start3A_108 = arith.constant 0 : i32
    %dma_start3A_109 = tpu.memref_slice %arg3[%dma_start3A_107, %dma_start3A_108] : memref<1015808x32xi32, #tpu.memory_space<hbm>> -> memref<1015808x32xi32, #tpu.memory_space<hbm>>
    tpu.enqueue_indirect_dma source(%dma_start3A_109 : memref<1015808x32xi32, #tpu.memory_space<hbm>>) target(%dma_start3A_104 : memref<128x32xi32, #tpu.memory_space<vmem>>) offsets(%dma_start3A_106 : memref<128xi32, #tpu.memory_space<vmem>>) semaphore(%arg21 : memref<!tpu.dma_semaphore, #tpu.memory_space<semaphore_mem>>)
    %dma_start3A_110 = arith.constant 128 : i32
    %dma_start3A_111 = arith.constant 0 : i32
    %dma_start3A_112 = tpu.memref_slice %arg12[%dma_start3A_110, %dma_start3A_111] : memref<200x32xi32, #tpu.memory_space<vmem>> -> memref<72x32xi32, #tpu.memory_space<vmem>>
    %dma_start3A_113 = arith.constant 1328 : i32
    %dma_start3A_114 = tpu.memref_slice %arg5[%dma_start3A_113] : memref<25600xi32, #tpu.memory_space<vmem>> -> memref<72xi32, #tpu.memory_space<vmem>>
    %dma_start3A_115 = arith.constant 0 : i32
    %dma_start3A_116 = arith.constant 0 : i32
    %dma_start3A_117 = tpu.memref_slice %arg3[%dma_start3A_115, %dma_start3A_116] : memref<1015808x32xi32, #tpu.memory_space<hbm>> -> memref<1015808x32xi32, #tpu.memory_space<hbm>>
    tpu.enqueue_indirect_dma source(%dma_start3A_117 : memref<1015808x32xi32, #tpu.memory_space<hbm>>) target(%dma_start3A_112 : memref<72x32xi32, #tpu.memory_space<vmem>>) offsets(%dma_start3A_114 : memref<72xi32, #tpu.memory_space<vmem>>) semaphore(%arg21 : memref<!tpu.dma_semaphore, #tpu.memory_space<semaphore_mem>>)
    %dma_start3A_118 = arith.constant 0 : i32
    %dma_start3A_119 = arith.constant 0 : i32
    %dma_start3A_120 = tpu.memref_slice %arg13[%dma_start3A_118, %dma_start3A_119] : memref<200x32xi32, #tpu.memory_space<vmem>> -> memref<128x32xi32, #tpu.memory_space<vmem>>
    %dma_start3A_121 = arith.constant 1400 : i32
    %dma_start3A_122 = tpu.memref_slice %arg5[%dma_start3A_121] : memref<25600xi32, #tpu.memory_space<vmem>> -> memref<128xi32, #tpu.memory_space<vmem>>
    %dma_start3A_123 = arith.constant 0 : i32
    %dma_start3A_124 = arith.constant 0 : i32
    %dma_start3A_125 = tpu.memref_slice %arg3[%dma_start3A_123, %dma_start3A_124] : memref<1015808x32xi32, #tpu.memory_space<hbm>> -> memref<1015808x32xi32, #tpu.memory_space<hbm>>
    tpu.enqueue_indirect_dma source(%dma_start3A_125 : memref<1015808x32xi32, #tpu.memory_space<hbm>>) target(%dma_start3A_120 : memref<128x32xi32, #tpu.memory_space<vmem>>) offsets(%dma_start3A_122 : memref<128xi32, #tpu.memory_space<vmem>>) semaphore(%arg22 : memref<!tpu.dma_semaphore, #tpu.memory_space<semaphore_mem>>)
    %dma_start3A_126 = arith.constant 128 : i32
    %dma_start3A_127 = arith.constant 0 : i32
    %dma_start3A_128 = tpu.memref_slice %arg13[%dma_start3A_126, %dma_start3A_127] : memref<200x32xi32, #tpu.memory_space<vmem>> -> memref<72x32xi32, #tpu.memory_space<vmem>>
    %dma_start3A_129 = arith.constant 1528 : i32
    %dma_start3A_130 = tpu.memref_slice %arg5[%dma_start3A_129] : memref<25600xi32, #tpu.memory_space<vmem>> -> memref<72xi32, #tpu.memory_space<vmem>>
    %dma_start3A_131 = arith.constant 0 : i32
    %dma_start3A_132 = arith.constant 0 : i32
    %dma_start3A_133 = tpu.memref_slice %arg3[%dma_start3A_131, %dma_start3A_132] : memref<1015808x32xi32, #tpu.memory_space<hbm>> -> memref<1015808x32xi32, #tpu.memory_space<hbm>>
    tpu.enqueue_indirect_dma source(%dma_start3A_133 : memref<1015808x32xi32, #tpu.memory_space<hbm>>) target(%dma_start3A_128 : memref<72x32xi32, #tpu.memory_space<vmem>>) offsets(%dma_start3A_130 : memref<72xi32, #tpu.memory_space<vmem>>) semaphore(%arg22 : memref<!tpu.dma_semaphore, #tpu.memory_space<semaphore_mem>>)
    %broadcast_in_dim3A = arith.constant -65536 : i32
    %broadcast_in_dim3A_134 = vector.broadcast %broadcast_in_dim3A : i32 to vector<16xi32>
    %scan3A = arith.constant 0 : i32
    %scan3A_135 = arith.constant 0 : i32
    %scan3A_136 = arith.constant 16 : i32
    %scan3A_137 = arith.addi %scan3A_135, %scan3A_136 : i32
    %scan3A_138 = arith.constant 1 : i32
    scf.for %scan3A_140 = %scan3A_135 to %scan3A_137 step %scan3A_138  : i32 {
      %mul3A_141 = arith.constant 8 : i32
      %mul3A_142 = arith.muli %scan3A_140, %mul3A_141 : i32
      %add3A_143 = arith.constant 0 : i32
      %add3A_144 = arith.addi %mul3A_142, %add3A_143 : i32
      %dma_wait3A = arith.constant 0 : i32
      %dma_wait3A_145 = arith.constant 0 : i32
      %dma_wait3A_146 = tpu.memref_slice %arg3[%dma_wait3A, %dma_wait3A_145] : memref<1015808x32xi32, #tpu.memory_space<hbm>> -> memref<200x32xi32, #tpu.memory_space<hbm>>
      %dma_wait3A_147 = arith.constant 0 : i32
      %dma_wait3A_148 = arith.constant 0 : i32
      %dma_wait3A_149 = tpu.memref_slice %arg3[%dma_wait3A_147, %dma_wait3A_148] : memref<1015808x32xi32, #tpu.memory_space<hbm>> -> memref<200x32xi32, #tpu.memory_space<hbm>>
      tpu.wait_dma2 semaphore(%arg15 : memref<!tpu.dma_semaphore, #tpu.memory_space<semaphore_mem>>) src(%dma_wait3A_149 : memref<200x32xi32, #tpu.memory_space<hbm>>) dst(%arg6 : memref<200x32xi32, #tpu.memory_space<vmem>>)
      %broadcast_in_dim3A_150 = arith.constant 0.000000e+00 : f32
      %broadcast_in_dim3A_151 = vector.broadcast %broadcast_in_dim3A_150 : f32 to vector<16xf32>
      %broadcast_in_dim3A_152 = arith.constant 0.000000e+00 : f32
      %broadcast_in_dim3A_153 = vector.broadcast %broadcast_in_dim3A_152 : f32 to vector<16xf32>
      %broadcast_in_dim3A_154 = arith.constant 0.000000e+00 : f32
      %broadcast_in_dim3A_155 = vector.broadcast %broadcast_in_dim3A_154 : f32 to vector<16xf32>
      %broadcast_in_dim3A_156 = arith.constant 0.000000e+00 : f32
      %broadcast_in_dim3A_157 = vector.broadcast %broadcast_in_dim3A_156 : f32 to vector<16xf32>
      %parallel_loop3A_158 = arith.constant 0 : i32
      %parallel_loop3A_159 = arith.constant 200 : i32
      %parallel_loop3A_160 = arith.constant 1 : i32
      %parallel_loop3A_161:4 = scf.for %parallel_loop3A_530 = %parallel_loop3A_158 to %parallel_loop3A_159 step %parallel_loop3A_160 iter_args(%parallel_loop3A_531 = %broadcast_in_dim3A_151, %parallel_loop3A_532 = %broadcast_in_dim3A_153, %parallel_loop3A_533 = %broadcast_in_dim3A_155, %parallel_loop3A_534 = %broadcast_in_dim3A_157) -> (vector<16xf32>, vector<16xf32>, vector<16xf32>, vector<16xf32>)  : i32 {
        %parallel_loop3A_535 = arith.index_cast %parallel_loop3A_530 : i32 to index
        %parallel_loop3A_536 = arith.constant 0 : index
        %parallel_loop3A_537 = tpu.vector_load %arg6[%parallel_loop3A_535, %parallel_loop3A_536] {strides = array<i32>} : memref<200x32xi32, #tpu.memory_space<vmem>>, vector<16xi32>,
        %parallel_loop3A_538 = arith.constant 16 : i32
        %parallel_loop3A_539 = vector.broadcast %parallel_loop3A_538 : i32 to vector<16xi32>
        %parallel_loop3A_540 = arith.shli %parallel_loop3A_537, %parallel_loop3A_539 : vector<16xi32>
        %parallel_loop3A_541 = vector.bitcast %parallel_loop3A_540 : vector<16xi32> to vector<16xf32>
        %parallel_loop3A_542 = arith.andi %parallel_loop3A_537, %broadcast_in_dim3A_134 : vector<16xi32>
        %parallel_loop3A_543 = vector.bitcast %parallel_loop3A_542 : vector<16xi32> to vector<16xf32>
        %parallel_loop3A_544 = arith.addf %parallel_loop3A_531, %parallel_loop3A_541 : vector<16xf32>
        %parallel_loop3A_545 = arith.addf %parallel_loop3A_532, %parallel_loop3A_543 : vector<16xf32>
        %parallel_loop3A_546 = arith.index_cast %parallel_loop3A_530 : i32 to index
        %parallel_loop3A_547 = arith.constant 16 : index
        %parallel_loop3A_548 = tpu.vector_load %arg6[%parallel_loop3A_546, %parallel_loop3A_547] {strides = array<i32>} : memref<200x32xi32, #tpu.memory_space<vmem>>, vector<16xi32>,
        %parallel_loop3A_549 = arith.constant 16 : i32
        %parallel_loop3A_550 = vector.broadcast %parallel_loop3A_549 : i32 to vector<16xi32>
        %parallel_loop3A_551 = arith.shli %parallel_loop3A_548, %parallel_loop3A_550 : vector<16xi32>
        %parallel_loop3A_552 = vector.bitcast %parallel_loop3A_551 : vector<16xi32> to vector<16xf32>
        %parallel_loop3A_553 = arith.andi %parallel_loop3A_548, %broadcast_in_dim3A_134 : vector<16xi32>
        %parallel_loop3A_554 = vector.bitcast %parallel_loop3A_553 : vector<16xi32> to vector<16xf32>
        %parallel_loop3A_555 = arith.addf %parallel_loop3A_533, %parallel_loop3A_552 : vector<16xf32>
        %parallel_loop3A_556 = arith.addf %parallel_loop3A_534, %parallel_loop3A_554 : vector<16xf32>
        scf.yield %parallel_loop3A_544, %parallel_loop3A_545, %parallel_loop3A_555, %parallel_loop3A_556 : vector<16xf32>, vector<16xf32>, vector<16xf32>, vector<16xf32>
      } {sc.loop_unroll_factor = 8 : i64, sc.parallel_access}
      %mul3A_162 = arith.constant 5.000000e-03 : f32
      %mul3A_163 = vector.broadcast %mul3A_162 : f32 to vector<16xf32>
      %mul3A_164 = arith.mulf %parallel_loop3A_161#0, %mul3A_163 : vector<16xf32>
      %swap3A = arith.index_cast %add3A_144 : i32 to index
      %swap3A_165 = arith.constant 0 : index
      %swap3A_166 = tpu.vector_load %arg14[%swap3A, %swap3A_165] {strides = array<i32>} : memref<128x64xf32, #tpu.memory_space<vmem>>, vector<16xf32>,
      tpu.vector_store %arg14[%swap3A, %swap3A_165], %mul3A_164 {strides = array<i32>} : memref<128x64xf32, #tpu.memory_space<vmem>>, vector<16xf32>,
      %mul3A_167 = arith.constant 5.000000e-03 : f32
      %mul3A_168 = vector.broadcast %mul3A_167 : f32 to vector<16xf32>
      %mul3A_169 = arith.mulf %parallel_loop3A_161#1, %mul3A_168 : vector<16xf32>
      %swap3A_170 = arith.index_cast %add3A_144 : i32 to index
      %swap3A_171 = arith.constant 16 : index
      %swap3A_172 = tpu.vector_load %arg14[%swap3A_170, %swap3A_171] {strides = array<i32>} : memref<128x64xf32, #tpu.memory_space<vmem>>, vector<16xf32>,
      tpu.vector_store %arg14[%swap3A_170, %swap3A_171], %mul3A_169 {strides = array<i32>} : memref<128x64xf32, #tpu.memory_space<vmem>>, vector<16xf32>,
      %mul3A_173 = arith.constant 5.000000e-03 : f32
      %mul3A_174 = vector.broadcast %mul3A_173 : f32 to vector<16xf32>
      %mul3A_175 = arith.mulf %parallel_loop3A_161#2, %mul3A_174 : vector<16xf32>
      %swap3A_176 = arith.index_cast %add3A_144 : i32 to index
      %swap3A_177 = arith.constant 32 : index
      %swap3A_178 = tpu.vector_load %arg14[%swap3A_176, %swap3A_177] {strides = array<i32>} : memref<128x64xf32, #tpu.memory_space<vmem>>, vector<16xf32>,
      tpu.vector_store %arg14[%swap3A_176, %swap3A_177], %mul3A_175 {strides = array<i32>} : memref<128x64xf32, #tpu.memory_space<vmem>>, vector<16xf32>,
      %mul3A_179 = arith.constant 5.000000e-03 : f32
      %mul3A_180 = vector.broadcast %mul3A_179 : f32 to vector<16xf32>
      %mul3A_181 = arith.mulf %parallel_loop3A_161#3, %mul3A_180 : vector<16xf32>
      %swap3A_182 = arith.index_cast %add3A_144 : i32 to index
      %swap3A_183 = arith.constant 48 : index
      %swap3A_184 = tpu.vector_load %arg14[%swap3A_182, %swap3A_183] {strides = array<i32>} : memref<128x64xf32, #tpu.memory_space<vmem>>, vector<16xf32>,
      tpu.vector_store %arg14[%swap3A_182, %swap3A_183], %mul3A_181 {strides = array<i32>} : memref<128x64xf32, #tpu.memory_space<vmem>>, vector<16xf32>,
      %lt3A = arith.constant 15 : i32
      %lt3A_185 = arith.cmpi slt, %scan3A_140, %lt3A : i32
      %convert_element_type3A = arith.extui %lt3A_185 : i1 to i32
      %cond3A = arith.constant 0 : i32
      %cond3A_186 = arith.cmpi ne, %convert_element_type3A, %cond3A : i32
      scf.if %cond3A_186 {
        %add3A_530 = arith.constant 8 : i32
        %add3A_531 = arith.addi %add3A_144, %add3A_530 : i32
        %mul3A_532 = arith.constant 200 : i32
        %mul3A_533 = arith.muli %add3A_531, %mul3A_532 : i32
        %dma_start3A_534 = arith.constant 0 : i32
        %dma_start3A_535 = arith.constant 0 : i32
        %dma_start3A_536 = tpu.memref_slice %arg6[%dma_start3A_534, %dma_start3A_535] : memref<200x32xi32, #tpu.memory_space<vmem>> -> memref<128x32xi32, #tpu.memory_space<vmem>>
        %dma_start3A_537 = tpu.memref_slice %arg5[%mul3A_533] : memref<25600xi32, #tpu.memory_space<vmem>> -> memref<128xi32, #tpu.memory_space<vmem>>
        %dma_start3A_538 = arith.constant 0 : i32
        %dma_start3A_539 = arith.constant 0 : i32
        %dma_start3A_540 = tpu.memref_slice %arg3[%dma_start3A_538, %dma_start3A_539] : memref<1015808x32xi32, #tpu.memory_space<hbm>> -> memref<1015808x32xi32, #tpu.memory_space<hbm>>
        tpu.enqueue_indirect_dma source(%dma_start3A_540 : memref<1015808x32xi32, #tpu.memory_space<hbm>>) target(%dma_start3A_536 : memref<128x32xi32, #tpu.memory_space<vmem>>) offsets(%dma_start3A_537 : memref<128xi32, #tpu.memory_space<vmem>>) semaphore(%arg15 : memref<!tpu.dma_semaphore, #tpu.memory_space<semaphore_mem>>)
        %mul3A_541 = arith.constant 200 : i32
        %mul3A_542 = arith.muli %add3A_531, %mul3A_541 : i32
        %add3A_543 = arith.constant 128 : i32
        %add3A_544 = arith.addi %mul3A_542, %add3A_543 : i32
        %dma_start3A_545 = arith.constant 128 : i32
        %dma_start3A_546 = arith.constant 0 : i32
        %dma_start3A_547 = tpu.memref_slice %arg6[%dma_start3A_545, %dma_start3A_546] : memref<200x32xi32, #tpu.memory_space<vmem>> -> memref<72x32xi32, #tpu.memory_space<vmem>>
        %dma_start3A_548 = tpu.memref_slice %arg5[%add3A_544] : memref<25600xi32, #tpu.memory_space<vmem>> -> memref<72xi32, #tpu.memory_space<vmem>>
        %dma_start3A_549 = arith.constant 0 : i32
        %dma_start3A_550 = arith.constant 0 : i32
        %dma_start3A_551 = tpu.memref_slice %arg3[%dma_start3A_549, %dma_start3A_550] : memref<1015808x32xi32, #tpu.memory_space<hbm>> -> memref<1015808x32xi32, #tpu.memory_space<hbm>>
        tpu.enqueue_indirect_dma source(%dma_start3A_551 : memref<1015808x32xi32, #tpu.memory_space<hbm>>) target(%dma_start3A_547 : memref<72x32xi32, #tpu.memory_space<vmem>>) offsets(%dma_start3A_548 : memref<72xi32, #tpu.memory_space<vmem>>) semaphore(%arg15 : memref<!tpu.dma_semaphore, #tpu.memory_space<semaphore_mem>>)
      } else {
      }
      %add3A_187 = arith.constant 1 : i32
      %add3A_188 = arith.addi %mul3A_142, %add3A_187 : i32
      %dma_wait3A_189 = arith.constant 0 : i32
      %dma_wait3A_190 = arith.constant 0 : i32
      %dma_wait3A_191 = tpu.memref_slice %arg3[%dma_wait3A_189, %dma_wait3A_190] : memref<1015808x32xi32, #tpu.memory_space<hbm>> -> memref<200x32xi32, #tpu.memory_space<hbm>>
      %dma_wait3A_192 = arith.constant 0 : i32
      %dma_wait3A_193 = arith.constant 0 : i32
      %dma_wait3A_194 = tpu.memref_slice %arg3[%dma_wait3A_192, %dma_wait3A_193] : memref<1015808x32xi32, #tpu.memory_space<hbm>> -> memref<200x32xi32, #tpu.memory_space<hbm>>
      tpu.wait_dma2 semaphore(%arg16 : memref<!tpu.dma_semaphore, #tpu.memory_space<semaphore_mem>>) src(%dma_wait3A_194 : memref<200x32xi32, #tpu.memory_space<hbm>>) dst(%arg7 : memref<200x32xi32, #tpu.memory_space<vmem>>)
      %broadcast_in_dim3A_195 = arith.constant 0.000000e+00 : f32
      %broadcast_in_dim3A_196 = vector.broadcast %broadcast_in_dim3A_195 : f32 to vector<16xf32>
      %broadcast_in_dim3A_197 = arith.constant 0.000000e+00 : f32
      %broadcast_in_dim3A_198 = vector.broadcast %broadcast_in_dim3A_197 : f32 to vector<16xf32>
      %broadcast_in_dim3A_199 = arith.constant 0.000000e+00 : f32
      %broadcast_in_dim3A_200 = vector.broadcast %broadcast_in_dim3A_199 : f32 to vector<16xf32>
      %broadcast_in_dim3A_201 = arith.constant 0.000000e+00 : f32
      %broadcast_in_dim3A_202 = vector.broadcast %broadcast_in_dim3A_201 : f32 to vector<16xf32>
      %parallel_loop3A_203 = arith.constant 0 : i32
      %parallel_loop3A_204 = arith.constant 200 : i32
      %parallel_loop3A_205 = arith.constant 1 : i32
      %parallel_loop3A_206:4 = scf.for %parallel_loop3A_530 = %parallel_loop3A_203 to %parallel_loop3A_204 step %parallel_loop3A_205 iter_args(%parallel_loop3A_531 = %broadcast_in_dim3A_196, %parallel_loop3A_532 = %broadcast_in_dim3A_198, %parallel_loop3A_533 = %broadcast_in_dim3A_200, %parallel_loop3A_534 = %broadcast_in_dim3A_202) -> (vector<16xf32>, vector<16xf32>, vector<16xf32>, vector<16xf32>)  : i32 {
        %parallel_loop3A_535 = arith.index_cast %parallel_loop3A_530 : i32 to index
        %parallel_loop3A_536 = arith.constant 0 : index
        %parallel_loop3A_537 = tpu.vector_load %arg7[%parallel_loop3A_535, %parallel_loop3A_536] {strides = array<i32>} : memref<200x32xi32, #tpu.memory_space<vmem>>, vector<16xi32>,
        %parallel_loop3A_538 = arith.constant 16 : i32
        %parallel_loop3A_539 = vector.broadcast %parallel_loop3A_538 : i32 to vector<16xi32>
        %parallel_loop3A_540 = arith.shli %parallel_loop3A_537, %parallel_loop3A_539 : vector<16xi32>
        %parallel_loop3A_541 = vector.bitcast %parallel_loop3A_540 : vector<16xi32> to vector<16xf32>
        %parallel_loop3A_542 = arith.andi %parallel_loop3A_537, %broadcast_in_dim3A_134 : vector<16xi32>
        %parallel_loop3A_543 = vector.bitcast %parallel_loop3A_542 : vector<16xi32> to vector<16xf32>
        %parallel_loop3A_544 = arith.addf %parallel_loop3A_531, %parallel_loop3A_541 : vector<16xf32>
        %parallel_loop3A_545 = arith.addf %parallel_loop3A_532, %parallel_loop3A_543 : vector<16xf32>
        %parallel_loop3A_546 = arith.index_cast %parallel_loop3A_530 : i32 to index
        %parallel_loop3A_547 = arith.constant 16 : index
        %parallel_loop3A_548 = tpu.vector_load %arg7[%parallel_loop3A_546, %parallel_loop3A_547] {strides = array<i32>} : memref<200x32xi32, #tpu.memory_space<vmem>>, vector<16xi32>,
        %parallel_loop3A_549 = arith.constant 16 : i32
        %parallel_loop3A_550 = vector.broadcast %parallel_loop3A_549 : i32 to vector<16xi32>
        %parallel_loop3A_551 = arith.shli %parallel_loop3A_548, %parallel_loop3A_550 : vector<16xi32>
        %parallel_loop3A_552 = vector.bitcast %parallel_loop3A_551 : vector<16xi32> to vector<16xf32>
        %parallel_loop3A_553 = arith.andi %parallel_loop3A_548, %broadcast_in_dim3A_134 : vector<16xi32>
        %parallel_loop3A_554 = vector.bitcast %parallel_loop3A_553 : vector<16xi32> to vector<16xf32>
        %parallel_loop3A_555 = arith.addf %parallel_loop3A_533, %parallel_loop3A_552 : vector<16xf32>
        %parallel_loop3A_556 = arith.addf %parallel_loop3A_534, %parallel_loop3A_554 : vector<16xf32>
        scf.yield %parallel_loop3A_544, %parallel_loop3A_545, %parallel_loop3A_555, %parallel_loop3A_556 : vector<16xf32>, vector<16xf32>, vector<16xf32>, vector<16xf32>
      } {sc.loop_unroll_factor = 8 : i64, sc.parallel_access}
      %mul3A_207 = arith.constant 5.000000e-03 : f32
      %mul3A_208 = vector.broadcast %mul3A_207 : f32 to vector<16xf32>
      %mul3A_209 = arith.mulf %parallel_loop3A_206#0, %mul3A_208 : vector<16xf32>
      %swap3A_210 = arith.index_cast %add3A_188 : i32 to index
      %swap3A_211 = arith.constant 0 : index
      %swap3A_212 = tpu.vector_load %arg14[%swap3A_210, %swap3A_211] {strides = array<i32>} : memref<128x64xf32, #tpu.memory_space<vmem>>, vector<16xf32>,
      tpu.vector_store %arg14[%swap3A_210, %swap3A_211], %mul3A_209 {strides = array<i32>} : memref<128x64xf32, #tpu.memory_space<vmem>>, vector<16xf32>,
      %mul3A_213 = arith.constant 5.000000e-03 : f32
      %mul3A_214 = vector.broadcast %mul3A_213 : f32 to vector<16xf32>
      %mul3A_215 = arith.mulf %parallel_loop3A_206#1, %mul3A_214 : vector<16xf32>
      %swap3A_216 = arith.index_cast %add3A_188 : i32 to index
      %swap3A_217 = arith.constant 16 : index
      %swap3A_218 = tpu.vector_load %arg14[%swap3A_216, %swap3A_217] {strides = array<i32>} : memref<128x64xf32, #tpu.memory_space<vmem>>, vector<16xf32>,
      tpu.vector_store %arg14[%swap3A_216, %swap3A_217], %mul3A_215 {strides = array<i32>} : memref<128x64xf32, #tpu.memory_space<vmem>>, vector<16xf32>,
      %mul3A_219 = arith.constant 5.000000e-03 : f32
      %mul3A_220 = vector.broadcast %mul3A_219 : f32 to vector<16xf32>
      %mul3A_221 = arith.mulf %parallel_loop3A_206#2, %mul3A_220 : vector<16xf32>
      %swap3A_222 = arith.index_cast %add3A_188 : i32 to index
      %swap3A_223 = arith.constant 32 : index
      %swap3A_224 = tpu.vector_load %arg14[%swap3A_222, %swap3A_223] {strides = array<i32>} : memref<128x64xf32, #tpu.memory_space<vmem>>, vector<16xf32>,
      tpu.vector_store %arg14[%swap3A_222, %swap3A_223], %mul3A_221 {strides = array<i32>} : memref<128x64xf32, #tpu.memory_space<vmem>>, vector<16xf32>,
      %mul3A_225 = arith.constant 5.000000e-03 : f32
      %mul3A_226 = vector.broadcast %mul3A_225 : f32 to vector<16xf32>
      %mul3A_227 = arith.mulf %parallel_loop3A_206#3, %mul3A_226 : vector<16xf32>
      %swap3A_228 = arith.index_cast %add3A_188 : i32 to index
      %swap3A_229 = arith.constant 48 : index
      %swap3A_230 = tpu.vector_load %arg14[%swap3A_228, %swap3A_229] {strides = array<i32>} : memref<128x64xf32, #tpu.memory_space<vmem>>, vector<16xf32>,
      tpu.vector_store %arg14[%swap3A_228, %swap3A_229], %mul3A_227 {strides = array<i32>} : memref<128x64xf32, #tpu.memory_space<vmem>>, vector<16xf32>,
      %lt3A_231 = arith.constant 15 : i32
      %lt3A_232 = arith.cmpi slt, %scan3A_140, %lt3A_231 : i32
      %convert_element_type3A_233 = arith.extui %lt3A_232 : i1 to i32
      %cond3A_234 = arith.constant 0 : i32
      %cond3A_235 = arith.cmpi ne, %convert_element_type3A_233, %cond3A_234 : i32
      scf.if %cond3A_235 {
        %add3A_530 = arith.constant 8 : i32
        %add3A_531 = arith.addi %add3A_188, %add3A_530 : i32
        %mul3A_532 = arith.constant 200 : i32
        %mul3A_533 = arith.muli %add3A_531, %mul3A_532 : i32
        %dma_start3A_534 = arith.constant 0 : i32
        %dma_start3A_535 = arith.constant 0 : i32
        %dma_start3A_536 = tpu.memref_slice %arg7[%dma_start3A_534, %dma_start3A_535] : memref<200x32xi32, #tpu.memory_space<vmem>> -> memref<128x32xi32, #tpu.memory_space<vmem>>
        %dma_start3A_537 = tpu.memref_slice %arg5[%mul3A_533] : memref<25600xi32, #tpu.memory_space<vmem>> -> memref<128xi32, #tpu.memory_space<vmem>>
        %dma_start3A_538 = arith.constant 0 : i32
        %dma_start3A_539 = arith.constant 0 : i32
        %dma_start3A_540 = tpu.memref_slice %arg3[%dma_start3A_538, %dma_start3A_539] : memref<1015808x32xi32, #tpu.memory_space<hbm>> -> memref<1015808x32xi32, #tpu.memory_space<hbm>>
        tpu.enqueue_indirect_dma source(%dma_start3A_540 : memref<1015808x32xi32, #tpu.memory_space<hbm>>) target(%dma_start3A_536 : memref<128x32xi32, #tpu.memory_space<vmem>>) offsets(%dma_start3A_537 : memref<128xi32, #tpu.memory_space<vmem>>) semaphore(%arg16 : memref<!tpu.dma_semaphore, #tpu.memory_space<semaphore_mem>>)
        %mul3A_541 = arith.constant 200 : i32
        %mul3A_542 = arith.muli %add3A_531, %mul3A_541 : i32
        %add3A_543 = arith.constant 128 : i32
        %add3A_544 = arith.addi %mul3A_542, %add3A_543 : i32
        %dma_start3A_545 = arith.constant 128 : i32
        %dma_start3A_546 = arith.constant 0 : i32
        %dma_start3A_547 = tpu.memref_slice %arg7[%dma_start3A_545, %dma_start3A_546] : memref<200x32xi32, #tpu.memory_space<vmem>> -> memref<72x32xi32, #tpu.memory_space<vmem>>
        %dma_start3A_548 = tpu.memref_slice %arg5[%add3A_544] : memref<25600xi32, #tpu.memory_space<vmem>> -> memref<72xi32, #tpu.memory_space<vmem>>
        %dma_start3A_549 = arith.constant 0 : i32
        %dma_start3A_550 = arith.constant 0 : i32
        %dma_start3A_551 = tpu.memref_slice %arg3[%dma_start3A_549, %dma_start3A_550] : memref<1015808x32xi32, #tpu.memory_space<hbm>> -> memref<1015808x32xi32, #tpu.memory_space<hbm>>
        tpu.enqueue_indirect_dma source(%dma_start3A_551 : memref<1015808x32xi32, #tpu.memory_space<hbm>>) target(%dma_start3A_547 : memref<72x32xi32, #tpu.memory_space<vmem>>) offsets(%dma_start3A_548 : memref<72xi32, #tpu.memory_space<vmem>>) semaphore(%arg16 : memref<!tpu.dma_semaphore, #tpu.memory_space<semaphore_mem>>)
      } else {
      }
      %add3A_236 = arith.constant 2 : i32
      %add3A_237 = arith.addi %mul3A_142, %add3A_236 : i32
      %dma_wait3A_238 = arith.constant 0 : i32
      %dma_wait3A_239 = arith.constant 0 : i32
      %dma_wait3A_240 = tpu.memref_slice %arg3[%dma_wait3A_238, %dma_wait3A_239] : memref<1015808x32xi32, #tpu.memory_space<hbm>> -> memref<200x32xi32, #tpu.memory_space<hbm>>
      %dma_wait3A_241 = arith.constant 0 : i32
      %dma_wait3A_242 = arith.constant 0 : i32
      %dma_wait3A_243 = tpu.memref_slice %arg3[%dma_wait3A_241, %dma_wait3A_242] : memref<1015808x32xi32, #tpu.memory_space<hbm>> -> memref<200x32xi32, #tpu.memory_space<hbm>>
      tpu.wait_dma2 semaphore(%arg17 : memref<!tpu.dma_semaphore, #tpu.memory_space<semaphore_mem>>) src(%dma_wait3A_243 : memref<200x32xi32, #tpu.memory_space<hbm>>) dst(%arg8 : memref<200x32xi32, #tpu.memory_space<vmem>>)
      %broadcast_in_dim3A_244 = arith.constant 0.000000e+00 : f32
      %broadcast_in_dim3A_245 = vector.broadcast %broadcast_in_dim3A_244 : f32 to vector<16xf32>
      %broadcast_in_dim3A_246 = arith.constant 0.000000e+00 : f32
      %broadcast_in_dim3A_247 = vector.broadcast %broadcast_in_dim3A_246 : f32 to vector<16xf32>
      %broadcast_in_dim3A_248 = arith.constant 0.000000e+00 : f32
      %broadcast_in_dim3A_249 = vector.broadcast %broadcast_in_dim3A_248 : f32 to vector<16xf32>
      %broadcast_in_dim3A_250 = arith.constant 0.000000e+00 : f32
      %broadcast_in_dim3A_251 = vector.broadcast %broadcast_in_dim3A_250 : f32 to vector<16xf32>
      %parallel_loop3A_252 = arith.constant 0 : i32
      %parallel_loop3A_253 = arith.constant 200 : i32
      %parallel_loop3A_254 = arith.constant 1 : i32
      %parallel_loop3A_255:4 = scf.for %parallel_loop3A_530 = %parallel_loop3A_252 to %parallel_loop3A_253 step %parallel_loop3A_254 iter_args(%parallel_loop3A_531 = %broadcast_in_dim3A_245, %parallel_loop3A_532 = %broadcast_in_dim3A_247, %parallel_loop3A_533 = %broadcast_in_dim3A_249, %parallel_loop3A_534 = %broadcast_in_dim3A_251) -> (vector<16xf32>, vector<16xf32>, vector<16xf32>, vector<16xf32>)  : i32 {
        %parallel_loop3A_535 = arith.index_cast %parallel_loop3A_530 : i32 to index
        %parallel_loop3A_536 = arith.constant 0 : index
        %parallel_loop3A_537 = tpu.vector_load %arg8[%parallel_loop3A_535, %parallel_loop3A_536] {strides = array<i32>} : memref<200x32xi32, #tpu.memory_space<vmem>>, vector<16xi32>,
        %parallel_loop3A_538 = arith.constant 16 : i32
        %parallel_loop3A_539 = vector.broadcast %parallel_loop3A_538 : i32 to vector<16xi32>
        %parallel_loop3A_540 = arith.shli %parallel_loop3A_537, %parallel_loop3A_539 : vector<16xi32>
        %parallel_loop3A_541 = vector.bitcast %parallel_loop3A_540 : vector<16xi32> to vector<16xf32>
        %parallel_loop3A_542 = arith.andi %parallel_loop3A_537, %broadcast_in_dim3A_134 : vector<16xi32>
        %parallel_loop3A_543 = vector.bitcast %parallel_loop3A_542 : vector<16xi32> to vector<16xf32>
        %parallel_loop3A_544 = arith.addf %parallel_loop3A_531, %parallel_loop3A_541 : vector<16xf32>
        %parallel_loop3A_545 = arith.addf %parallel_loop3A_532, %parallel_loop3A_543 : vector<16xf32>
        %parallel_loop3A_546 = arith.index_cast %parallel_loop3A_530 : i32 to index
        %parallel_loop3A_547 = arith.constant 16 : index
        %parallel_loop3A_548 = tpu.vector_load %arg8[%parallel_loop3A_546, %parallel_loop3A_547] {strides = array<i32>} : memref<200x32xi32, #tpu.memory_space<vmem>>, vector<16xi32>,
        %parallel_loop3A_549 = arith.constant 16 : i32
        %parallel_loop3A_550 = vector.broadcast %parallel_loop3A_549 : i32 to vector<16xi32>
        %parallel_loop3A_551 = arith.shli %parallel_loop3A_548, %parallel_loop3A_550 : vector<16xi32>
        %parallel_loop3A_552 = vector.bitcast %parallel_loop3A_551 : vector<16xi32> to vector<16xf32>
        %parallel_loop3A_553 = arith.andi %parallel_loop3A_548, %broadcast_in_dim3A_134 : vector<16xi32>
        %parallel_loop3A_554 = vector.bitcast %parallel_loop3A_553 : vector<16xi32> to vector<16xf32>
        %parallel_loop3A_555 = arith.addf %parallel_loop3A_533, %parallel_loop3A_552 : vector<16xf32>
        %parallel_loop3A_556 = arith.addf %parallel_loop3A_534, %parallel_loop3A_554 : vector<16xf32>
        scf.yield %parallel_loop3A_544, %parallel_loop3A_545, %parallel_loop3A_555, %parallel_loop3A_556 : vector<16xf32>, vector<16xf32>, vector<16xf32>, vector<16xf32>
      } {sc.loop_unroll_factor = 8 : i64, sc.parallel_access}
      %mul3A_256 = arith.constant 5.000000e-03 : f32
      %mul3A_257 = vector.broadcast %mul3A_256 : f32 to vector<16xf32>
      %mul3A_258 = arith.mulf %parallel_loop3A_255#0, %mul3A_257 : vector<16xf32>
      %swap3A_259 = arith.index_cast %add3A_237 : i32 to index
      %swap3A_260 = arith.constant 0 : index
      %swap3A_261 = tpu.vector_load %arg14[%swap3A_259, %swap3A_260] {strides = array<i32>} : memref<128x64xf32, #tpu.memory_space<vmem>>, vector<16xf32>,
      tpu.vector_store %arg14[%swap3A_259, %swap3A_260], %mul3A_258 {strides = array<i32>} : memref<128x64xf32, #tpu.memory_space<vmem>>, vector<16xf32>,
      %mul3A_262 = arith.constant 5.000000e-03 : f32
      %mul3A_263 = vector.broadcast %mul3A_262 : f32 to vector<16xf32>
      %mul3A_264 = arith.mulf %parallel_loop3A_255#1, %mul3A_263 : vector<16xf32>
      %swap3A_265 = arith.index_cast %add3A_237 : i32 to index
      %swap3A_266 = arith.constant 16 : index
      %swap3A_267 = tpu.vector_load %arg14[%swap3A_265, %swap3A_266] {strides = array<i32>} : memref<128x64xf32, #tpu.memory_space<vmem>>, vector<16xf32>,
      tpu.vector_store %arg14[%swap3A_265, %swap3A_266], %mul3A_264 {strides = array<i32>} : memref<128x64xf32, #tpu.memory_space<vmem>>, vector<16xf32>,
      %mul3A_268 = arith.constant 5.000000e-03 : f32
      %mul3A_269 = vector.broadcast %mul3A_268 : f32 to vector<16xf32>
      %mul3A_270 = arith.mulf %parallel_loop3A_255#2, %mul3A_269 : vector<16xf32>
      %swap3A_271 = arith.index_cast %add3A_237 : i32 to index
      %swap3A_272 = arith.constant 32 : index
      %swap3A_273 = tpu.vector_load %arg14[%swap3A_271, %swap3A_272] {strides = array<i32>} : memref<128x64xf32, #tpu.memory_space<vmem>>, vector<16xf32>,
      tpu.vector_store %arg14[%swap3A_271, %swap3A_272], %mul3A_270 {strides = array<i32>} : memref<128x64xf32, #tpu.memory_space<vmem>>, vector<16xf32>,
      %mul3A_274 = arith.constant 5.000000e-03 : f32
      %mul3A_275 = vector.broadcast %mul3A_274 : f32 to vector<16xf32>
      %mul3A_276 = arith.mulf %parallel_loop3A_255#3, %mul3A_275 : vector<16xf32>
      %swap3A_277 = arith.index_cast %add3A_237 : i32 to index
      %swap3A_278 = arith.constant 48 : index
      %swap3A_279 = tpu.vector_load %arg14[%swap3A_277, %swap3A_278] {strides = array<i32>} : memref<128x64xf32, #tpu.memory_space<vmem>>, vector<16xf32>,
      tpu.vector_store %arg14[%swap3A_277, %swap3A_278], %mul3A_276 {strides = array<i32>} : memref<128x64xf32, #tpu.memory_space<vmem>>, vector<16xf32>,
      %lt3A_280 = arith.constant 15 : i32
      %lt3A_281 = arith.cmpi slt, %scan3A_140, %lt3A_280 : i32
      %convert_element_type3A_282 = arith.extui %lt3A_281 : i1 to i32
      %cond3A_283 = arith.constant 0 : i32
      %cond3A_284 = arith.cmpi ne, %convert_element_type3A_282, %cond3A_283 : i32
      scf.if %cond3A_284 {
        %add3A_530 = arith.constant 8 : i32
        %add3A_531 = arith.addi %add3A_237, %add3A_530 : i32
        %mul3A_532 = arith.constant 200 : i32
        %mul3A_533 = arith.muli %add3A_531, %mul3A_532 : i32
        %dma_start3A_534 = arith.constant 0 : i32
        %dma_start3A_535 = arith.constant 0 : i32
        %dma_start3A_536 = tpu.memref_slice %arg8[%dma_start3A_534, %dma_start3A_535] : memref<200x32xi32, #tpu.memory_space<vmem>> -> memref<128x32xi32, #tpu.memory_space<vmem>>
        %dma_start3A_537 = tpu.memref_slice %arg5[%mul3A_533] : memref<25600xi32, #tpu.memory_space<vmem>> -> memref<128xi32, #tpu.memory_space<vmem>>
        %dma_start3A_538 = arith.constant 0 : i32
        %dma_start3A_539 = arith.constant 0 : i32
        %dma_start3A_540 = tpu.memref_slice %arg3[%dma_start3A_538, %dma_start3A_539] : memref<1015808x32xi32, #tpu.memory_space<hbm>> -> memref<1015808x32xi32, #tpu.memory_space<hbm>>
        tpu.enqueue_indirect_dma source(%dma_start3A_540 : memref<1015808x32xi32, #tpu.memory_space<hbm>>) target(%dma_start3A_536 : memref<128x32xi32, #tpu.memory_space<vmem>>) offsets(%dma_start3A_537 : memref<128xi32, #tpu.memory_space<vmem>>) semaphore(%arg17 : memref<!tpu.dma_semaphore, #tpu.memory_space<semaphore_mem>>)
        %mul3A_541 = arith.constant 200 : i32
        %mul3A_542 = arith.muli %add3A_531, %mul3A_541 : i32
        %add3A_543 = arith.constant 128 : i32
        %add3A_544 = arith.addi %mul3A_542, %add3A_543 : i32
        %dma_start3A_545 = arith.constant 128 : i32
        %dma_start3A_546 = arith.constant 0 : i32
        %dma_start3A_547 = tpu.memref_slice %arg8[%dma_start3A_545, %dma_start3A_546] : memref<200x32xi32, #tpu.memory_space<vmem>> -> memref<72x32xi32, #tpu.memory_space<vmem>>
        %dma_start3A_548 = tpu.memref_slice %arg5[%add3A_544] : memref<25600xi32, #tpu.memory_space<vmem>> -> memref<72xi32, #tpu.memory_space<vmem>>
        %dma_start3A_549 = arith.constant 0 : i32
        %dma_start3A_550 = arith.constant 0 : i32
        %dma_start3A_551 = tpu.memref_slice %arg3[%dma_start3A_549, %dma_start3A_550] : memref<1015808x32xi32, #tpu.memory_space<hbm>> -> memref<1015808x32xi32, #tpu.memory_space<hbm>>
        tpu.enqueue_indirect_dma source(%dma_start3A_551 : memref<1015808x32xi32, #tpu.memory_space<hbm>>) target(%dma_start3A_547 : memref<72x32xi32, #tpu.memory_space<vmem>>) offsets(%dma_start3A_548 : memref<72xi32, #tpu.memory_space<vmem>>) semaphore(%arg17 : memref<!tpu.dma_semaphore, #tpu.memory_space<semaphore_mem>>)
      } else {
      }
      %add3A_285 = arith.constant 3 : i32
      %add3A_286 = arith.addi %mul3A_142, %add3A_285 : i32
      %dma_wait3A_287 = arith.constant 0 : i32
      %dma_wait3A_288 = arith.constant 0 : i32
      %dma_wait3A_289 = tpu.memref_slice %arg3[%dma_wait3A_287, %dma_wait3A_288] : memref<1015808x32xi32, #tpu.memory_space<hbm>> -> memref<200x32xi32, #tpu.memory_space<hbm>>
      %dma_wait3A_290 = arith.constant 0 : i32
      %dma_wait3A_291 = arith.constant 0 : i32
      %dma_wait3A_292 = tpu.memref_slice %arg3[%dma_wait3A_290, %dma_wait3A_291] : memref<1015808x32xi32, #tpu.memory_space<hbm>> -> memref<200x32xi32, #tpu.memory_space<hbm>>
      tpu.wait_dma2 semaphore(%arg18 : memref<!tpu.dma_semaphore, #tpu.memory_space<semaphore_mem>>) src(%dma_wait3A_292 : memref<200x32xi32, #tpu.memory_space<hbm>>) dst(%arg9 : memref<200x32xi32, #tpu.memory_space<vmem>>)
      %broadcast_in_dim3A_293 = arith.constant 0.000000e+00 : f32
      %broadcast_in_dim3A_294 = vector.broadcast %broadcast_in_dim3A_293 : f32 to vector<16xf32>
      %broadcast_in_dim3A_295 = arith.constant 0.000000e+00 : f32
      %broadcast_in_dim3A_296 = vector.broadcast %broadcast_in_dim3A_295 : f32 to vector<16xf32>
      %broadcast_in_dim3A_297 = arith.constant 0.000000e+00 : f32
      %broadcast_in_dim3A_298 = vector.broadcast %broadcast_in_dim3A_297 : f32 to vector<16xf32>
      %broadcast_in_dim3A_299 = arith.constant 0.000000e+00 : f32
      %broadcast_in_dim3A_300 = vector.broadcast %broadcast_in_dim3A_299 : f32 to vector<16xf32>
      %parallel_loop3A_301 = arith.constant 0 : i32
      %parallel_loop3A_302 = arith.constant 200 : i32
      %parallel_loop3A_303 = arith.constant 1 : i32
      %parallel_loop3A_304:4 = scf.for %parallel_loop3A_530 = %parallel_loop3A_301 to %parallel_loop3A_302 step %parallel_loop3A_303 iter_args(%parallel_loop3A_531 = %broadcast_in_dim3A_294, %parallel_loop3A_532 = %broadcast_in_dim3A_296, %parallel_loop3A_533 = %broadcast_in_dim3A_298, %parallel_loop3A_534 = %broadcast_in_dim3A_300) -> (vector<16xf32>, vector<16xf32>, vector<16xf32>, vector<16xf32>)  : i32 {
        %parallel_loop3A_535 = arith.index_cast %parallel_loop3A_530 : i32 to index
        %parallel_loop3A_536 = arith.constant 0 : index
        %parallel_loop3A_537 = tpu.vector_load %arg9[%parallel_loop3A_535, %parallel_loop3A_536] {strides = array<i32>} : memref<200x32xi32, #tpu.memory_space<vmem>>, vector<16xi32>,
        %parallel_loop3A_538 = arith.constant 16 : i32
        %parallel_loop3A_539 = vector.broadcast %parallel_loop3A_538 : i32 to vector<16xi32>
        %parallel_loop3A_540 = arith.shli %parallel_loop3A_537, %parallel_loop3A_539 : vector<16xi32>
        %parallel_loop3A_541 = vector.bitcast %parallel_loop3A_540 : vector<16xi32> to vector<16xf32>
        %parallel_loop3A_542 = arith.andi %parallel_loop3A_537, %broadcast_in_dim3A_134 : vector<16xi32>
        %parallel_loop3A_543 = vector.bitcast %parallel_loop3A_542 : vector<16xi32> to vector<16xf32>
        %parallel_loop3A_544 = arith.addf %parallel_loop3A_531, %parallel_loop3A_541 : vector<16xf32>
        %parallel_loop3A_545 = arith.addf %parallel_loop3A_532, %parallel_loop3A_543 : vector<16xf32>
        %parallel_loop3A_546 = arith.index_cast %parallel_loop3A_530 : i32 to index
        %parallel_loop3A_547 = arith.constant 16 : index
        %parallel_loop3A_548 = tpu.vector_load %arg9[%parallel_loop3A_546, %parallel_loop3A_547] {strides = array<i32>} : memref<200x32xi32, #tpu.memory_space<vmem>>, vector<16xi32>,
        %parallel_loop3A_549 = arith.constant 16 : i32
        %parallel_loop3A_550 = vector.broadcast %parallel_loop3A_549 : i32 to vector<16xi32>
        %parallel_loop3A_551 = arith.shli %parallel_loop3A_548, %parallel_loop3A_550 : vector<16xi32>
        %parallel_loop3A_552 = vector.bitcast %parallel_loop3A_551 : vector<16xi32> to vector<16xf32>
        %parallel_loop3A_553 = arith.andi %parallel_loop3A_548, %broadcast_in_dim3A_134 : vector<16xi32>
        %parallel_loop3A_554 = vector.bitcast %parallel_loop3A_553 : vector<16xi32> to vector<16xf32>
        %parallel_loop3A_555 = arith.addf %parallel_loop3A_533, %parallel_loop3A_552 : vector<16xf32>
        %parallel_loop3A_556 = arith.addf %parallel_loop3A_534, %parallel_loop3A_554 : vector<16xf32>
        scf.yield %parallel_loop3A_544, %parallel_loop3A_545, %parallel_loop3A_555, %parallel_loop3A_556 : vector<16xf32>, vector<16xf32>, vector<16xf32>, vector<16xf32>
      } {sc.loop_unroll_factor = 8 : i64, sc.parallel_access}
      %mul3A_305 = arith.constant 5.000000e-03 : f32
      %mul3A_306 = vector.broadcast %mul3A_305 : f32 to vector<16xf32>
      %mul3A_307 = arith.mulf %parallel_loop3A_304#0, %mul3A_306 : vector<16xf32>
      %swap3A_308 = arith.index_cast %add3A_286 : i32 to index
      %swap3A_309 = arith.constant 0 : index
      %swap3A_310 = tpu.vector_load %arg14[%swap3A_308, %swap3A_309] {strides = array<i32>} : memref<128x64xf32, #tpu.memory_space<vmem>>, vector<16xf32>,
      tpu.vector_store %arg14[%swap3A_308, %swap3A_309], %mul3A_307 {strides = array<i32>} : memref<128x64xf32, #tpu.memory_space<vmem>>, vector<16xf32>,
      %mul3A_311 = arith.constant 5.000000e-03 : f32
      %mul3A_312 = vector.broadcast %mul3A_311 : f32 to vector<16xf32>
      %mul3A_313 = arith.mulf %parallel_loop3A_304#1, %mul3A_312 : vector<16xf32>
      %swap3A_314 = arith.index_cast %add3A_286 : i32 to index
      %swap3A_315 = arith.constant 16 : index
      %swap3A_316 = tpu.vector_load %arg14[%swap3A_314, %swap3A_315] {strides = array<i32>} : memref<128x64xf32, #tpu.memory_space<vmem>>, vector<16xf32>,
      tpu.vector_store %arg14[%swap3A_314, %swap3A_315], %mul3A_313 {strides = array<i32>} : memref<128x64xf32, #tpu.memory_space<vmem>>, vector<16xf32>,
      %mul3A_317 = arith.constant 5.000000e-03 : f32
      %mul3A_318 = vector.broadcast %mul3A_317 : f32 to vector<16xf32>
      %mul3A_319 = arith.mulf %parallel_loop3A_304#2, %mul3A_318 : vector<16xf32>
      %swap3A_320 = arith.index_cast %add3A_286 : i32 to index
      %swap3A_321 = arith.constant 32 : index
      %swap3A_322 = tpu.vector_load %arg14[%swap3A_320, %swap3A_321] {strides = array<i32>} : memref<128x64xf32, #tpu.memory_space<vmem>>, vector<16xf32>,
      tpu.vector_store %arg14[%swap3A_320, %swap3A_321], %mul3A_319 {strides = array<i32>} : memref<128x64xf32, #tpu.memory_space<vmem>>, vector<16xf32>,
      %mul3A_323 = arith.constant 5.000000e-03 : f32
      %mul3A_324 = vector.broadcast %mul3A_323 : f32 to vector<16xf32>
      %mul3A_325 = arith.mulf %parallel_loop3A_304#3, %mul3A_324 : vector<16xf32>
      %swap3A_326 = arith.index_cast %add3A_286 : i32 to index
      %swap3A_327 = arith.constant 48 : index
      %swap3A_328 = tpu.vector_load %arg14[%swap3A_326, %swap3A_327] {strides = array<i32>} : memref<128x64xf32, #tpu.memory_space<vmem>>, vector<16xf32>,
      tpu.vector_store %arg14[%swap3A_326, %swap3A_327], %mul3A_325 {strides = array<i32>} : memref<128x64xf32, #tpu.memory_space<vmem>>, vector<16xf32>,
      %lt3A_329 = arith.constant 15 : i32
      %lt3A_330 = arith.cmpi slt, %scan3A_140, %lt3A_329 : i32
      %convert_element_type3A_331 = arith.extui %lt3A_330 : i1 to i32
      %cond3A_332 = arith.constant 0 : i32
      %cond3A_333 = arith.cmpi ne, %convert_element_type3A_331, %cond3A_332 : i32
      scf.if %cond3A_333 {
        %add3A_530 = arith.constant 8 : i32
        %add3A_531 = arith.addi %add3A_286, %add3A_530 : i32
        %mul3A_532 = arith.constant 200 : i32
        %mul3A_533 = arith.muli %add3A_531, %mul3A_532 : i32
        %dma_start3A_534 = arith.constant 0 : i32
        %dma_start3A_535 = arith.constant 0 : i32
        %dma_start3A_536 = tpu.memref_slice %arg9[%dma_start3A_534, %dma_start3A_535] : memref<200x32xi32, #tpu.memory_space<vmem>> -> memref<128x32xi32, #tpu.memory_space<vmem>>
        %dma_start3A_537 = tpu.memref_slice %arg5[%mul3A_533] : memref<25600xi32, #tpu.memory_space<vmem>> -> memref<128xi32, #tpu.memory_space<vmem>>
        %dma_start3A_538 = arith.constant 0 : i32
        %dma_start3A_539 = arith.constant 0 : i32
        %dma_start3A_540 = tpu.memref_slice %arg3[%dma_start3A_538, %dma_start3A_539] : memref<1015808x32xi32, #tpu.memory_space<hbm>> -> memref<1015808x32xi32, #tpu.memory_space<hbm>>
        tpu.enqueue_indirect_dma source(%dma_start3A_540 : memref<1015808x32xi32, #tpu.memory_space<hbm>>) target(%dma_start3A_536 : memref<128x32xi32, #tpu.memory_space<vmem>>) offsets(%dma_start3A_537 : memref<128xi32, #tpu.memory_space<vmem>>) semaphore(%arg18 : memref<!tpu.dma_semaphore, #tpu.memory_space<semaphore_mem>>)
        %mul3A_541 = arith.constant 200 : i32
        %mul3A_542 = arith.muli %add3A_531, %mul3A_541 : i32
        %add3A_543 = arith.constant 128 : i32
        %add3A_544 = arith.addi %mul3A_542, %add3A_543 : i32
        %dma_start3A_545 = arith.constant 128 : i32
        %dma_start3A_546 = arith.constant 0 : i32
        %dma_start3A_547 = tpu.memref_slice %arg9[%dma_start3A_545, %dma_start3A_546] : memref<200x32xi32, #tpu.memory_space<vmem>> -> memref<72x32xi32, #tpu.memory_space<vmem>>
        %dma_start3A_548 = tpu.memref_slice %arg5[%add3A_544] : memref<25600xi32, #tpu.memory_space<vmem>> -> memref<72xi32, #tpu.memory_space<vmem>>
        %dma_start3A_549 = arith.constant 0 : i32
        %dma_start3A_550 = arith.constant 0 : i32
        %dma_start3A_551 = tpu.memref_slice %arg3[%dma_start3A_549, %dma_start3A_550] : memref<1015808x32xi32, #tpu.memory_space<hbm>> -> memref<1015808x32xi32, #tpu.memory_space<hbm>>
        tpu.enqueue_indirect_dma source(%dma_start3A_551 : memref<1015808x32xi32, #tpu.memory_space<hbm>>) target(%dma_start3A_547 : memref<72x32xi32, #tpu.memory_space<vmem>>) offsets(%dma_start3A_548 : memref<72xi32, #tpu.memory_space<vmem>>) semaphore(%arg18 : memref<!tpu.dma_semaphore, #tpu.memory_space<semaphore_mem>>)
      } else {
      }
      %add3A_334 = arith.constant 4 : i32
      %add3A_335 = arith.addi %mul3A_142, %add3A_334 : i32
      %dma_wait3A_336 = arith.constant 0 : i32
      %dma_wait3A_337 = arith.constant 0 : i32
      %dma_wait3A_338 = tpu.memref_slice %arg3[%dma_wait3A_336, %dma_wait3A_337] : memref<1015808x32xi32, #tpu.memory_space<hbm>> -> memref<200x32xi32, #tpu.memory_space<hbm>>
      %dma_wait3A_339 = arith.constant 0 : i32
      %dma_wait3A_340 = arith.constant 0 : i32
      %dma_wait3A_341 = tpu.memref_slice %arg3[%dma_wait3A_339, %dma_wait3A_340] : memref<1015808x32xi32, #tpu.memory_space<hbm>> -> memref<200x32xi32, #tpu.memory_space<hbm>>
      tpu.wait_dma2 semaphore(%arg19 : memref<!tpu.dma_semaphore, #tpu.memory_space<semaphore_mem>>) src(%dma_wait3A_341 : memref<200x32xi32, #tpu.memory_space<hbm>>) dst(%arg10 : memref<200x32xi32, #tpu.memory_space<vmem>>)
      %broadcast_in_dim3A_342 = arith.constant 0.000000e+00 : f32
      %broadcast_in_dim3A_343 = vector.broadcast %broadcast_in_dim3A_342 : f32 to vector<16xf32>
      %broadcast_in_dim3A_344 = arith.constant 0.000000e+00 : f32
      %broadcast_in_dim3A_345 = vector.broadcast %broadcast_in_dim3A_344 : f32 to vector<16xf32>
      %broadcast_in_dim3A_346 = arith.constant 0.000000e+00 : f32
      %broadcast_in_dim3A_347 = vector.broadcast %broadcast_in_dim3A_346 : f32 to vector<16xf32>
      %broadcast_in_dim3A_348 = arith.constant 0.000000e+00 : f32
      %broadcast_in_dim3A_349 = vector.broadcast %broadcast_in_dim3A_348 : f32 to vector<16xf32>
      %parallel_loop3A_350 = arith.constant 0 : i32
      %parallel_loop3A_351 = arith.constant 200 : i32
      %parallel_loop3A_352 = arith.constant 1 : i32
      %parallel_loop3A_353:4 = scf.for %parallel_loop3A_530 = %parallel_loop3A_350 to %parallel_loop3A_351 step %parallel_loop3A_352 iter_args(%parallel_loop3A_531 = %broadcast_in_dim3A_343, %parallel_loop3A_532 = %broadcast_in_dim3A_345, %parallel_loop3A_533 = %broadcast_in_dim3A_347, %parallel_loop3A_534 = %broadcast_in_dim3A_349) -> (vector<16xf32>, vector<16xf32>, vector<16xf32>, vector<16xf32>)  : i32 {
        %parallel_loop3A_535 = arith.index_cast %parallel_loop3A_530 : i32 to index
        %parallel_loop3A_536 = arith.constant 0 : index
        %parallel_loop3A_537 = tpu.vector_load %arg10[%parallel_loop3A_535, %parallel_loop3A_536] {strides = array<i32>} : memref<200x32xi32, #tpu.memory_space<vmem>>, vector<16xi32>,
        %parallel_loop3A_538 = arith.constant 16 : i32
        %parallel_loop3A_539 = vector.broadcast %parallel_loop3A_538 : i32 to vector<16xi32>
        %parallel_loop3A_540 = arith.shli %parallel_loop3A_537, %parallel_loop3A_539 : vector<16xi32>
        %parallel_loop3A_541 = vector.bitcast %parallel_loop3A_540 : vector<16xi32> to vector<16xf32>
        %parallel_loop3A_542 = arith.andi %parallel_loop3A_537, %broadcast_in_dim3A_134 : vector<16xi32>
        %parallel_loop3A_543 = vector.bitcast %parallel_loop3A_542 : vector<16xi32> to vector<16xf32>
        %parallel_loop3A_544 = arith.addf %parallel_loop3A_531, %parallel_loop3A_541 : vector<16xf32>
        %parallel_loop3A_545 = arith.addf %parallel_loop3A_532, %parallel_loop3A_543 : vector<16xf32>
        %parallel_loop3A_546 = arith.index_cast %parallel_loop3A_530 : i32 to index
        %parallel_loop3A_547 = arith.constant 16 : index
        %parallel_loop3A_548 = tpu.vector_load %arg10[%parallel_loop3A_546, %parallel_loop3A_547] {strides = array<i32>} : memref<200x32xi32, #tpu.memory_space<vmem>>, vector<16xi32>,
        %parallel_loop3A_549 = arith.constant 16 : i32
        %parallel_loop3A_550 = vector.broadcast %parallel_loop3A_549 : i32 to vector<16xi32>
        %parallel_loop3A_551 = arith.shli %parallel_loop3A_548, %parallel_loop3A_550 : vector<16xi32>
        %parallel_loop3A_552 = vector.bitcast %parallel_loop3A_551 : vector<16xi32> to vector<16xf32>
        %parallel_loop3A_553 = arith.andi %parallel_loop3A_548, %broadcast_in_dim3A_134 : vector<16xi32>
        %parallel_loop3A_554 = vector.bitcast %parallel_loop3A_553 : vector<16xi32> to vector<16xf32>
        %parallel_loop3A_555 = arith.addf %parallel_loop3A_533, %parallel_loop3A_552 : vector<16xf32>
        %parallel_loop3A_556 = arith.addf %parallel_loop3A_534, %parallel_loop3A_554 : vector<16xf32>
        scf.yield %parallel_loop3A_544, %parallel_loop3A_545, %parallel_loop3A_555, %parallel_loop3A_556 : vector<16xf32>, vector<16xf32>, vector<16xf32>, vector<16xf32>
      } {sc.loop_unroll_factor = 8 : i64, sc.parallel_access}
      %mul3A_354 = arith.constant 5.000000e-03 : f32
      %mul3A_355 = vector.broadcast %mul3A_354 : f32 to vector<16xf32>
      %mul3A_356 = arith.mulf %parallel_loop3A_353#0, %mul3A_355 : vector<16xf32>
      %swap3A_357 = arith.index_cast %add3A_335 : i32 to index
      %swap3A_358 = arith.constant 0 : index
      %swap3A_359 = tpu.vector_load %arg14[%swap3A_357, %swap3A_358] {strides = array<i32>} : memref<128x64xf32, #tpu.memory_space<vmem>>, vector<16xf32>,
      tpu.vector_store %arg14[%swap3A_357, %swap3A_358], %mul3A_356 {strides = array<i32>} : memref<128x64xf32, #tpu.memory_space<vmem>>, vector<16xf32>,
      %mul3A_360 = arith.constant 5.000000e-03 : f32
      %mul3A_361 = vector.broadcast %mul3A_360 : f32 to vector<16xf32>
      %mul3A_362 = arith.mulf %parallel_loop3A_353#1, %mul3A_361 : vector<16xf32>
      %swap3A_363 = arith.index_cast %add3A_335 : i32 to index
      %swap3A_364 = arith.constant 16 : index
      %swap3A_365 = tpu.vector_load %arg14[%swap3A_363, %swap3A_364] {strides = array<i32>} : memref<128x64xf32, #tpu.memory_space<vmem>>, vector<16xf32>,
      tpu.vector_store %arg14[%swap3A_363, %swap3A_364], %mul3A_362 {strides = array<i32>} : memref<128x64xf32, #tpu.memory_space<vmem>>, vector<16xf32>,
      %mul3A_366 = arith.constant 5.000000e-03 : f32
      %mul3A_367 = vector.broadcast %mul3A_366 : f32 to vector<16xf32>
      %mul3A_368 = arith.mulf %parallel_loop3A_353#2, %mul3A_367 : vector<16xf32>
      %swap3A_369 = arith.index_cast %add3A_335 : i32 to index
      %swap3A_370 = arith.constant 32 : index
      %swap3A_371 = tpu.vector_load %arg14[%swap3A_369, %swap3A_370] {strides = array<i32>} : memref<128x64xf32, #tpu.memory_space<vmem>>, vector<16xf32>,
      tpu.vector_store %arg14[%swap3A_369, %swap3A_370], %mul3A_368 {strides = array<i32>} : memref<128x64xf32, #tpu.memory_space<vmem>>, vector<16xf32>,
      %mul3A_372 = arith.constant 5.000000e-03 : f32
      %mul3A_373 = vector.broadcast %mul3A_372 : f32 to vector<16xf32>
      %mul3A_374 = arith.mulf %parallel_loop3A_353#3, %mul3A_373 : vector<16xf32>
      %swap3A_375 = arith.index_cast %add3A_335 : i32 to index
      %swap3A_376 = arith.constant 48 : index
      %swap3A_377 = tpu.vector_load %arg14[%swap3A_375, %swap3A_376] {strides = array<i32>} : memref<128x64xf32, #tpu.memory_space<vmem>>, vector<16xf32>,
      tpu.vector_store %arg14[%swap3A_375, %swap3A_376], %mul3A_374 {strides = array<i32>} : memref<128x64xf32, #tpu.memory_space<vmem>>, vector<16xf32>,
      %lt3A_378 = arith.constant 15 : i32
      %lt3A_379 = arith.cmpi slt, %scan3A_140, %lt3A_378 : i32
      %convert_element_type3A_380 = arith.extui %lt3A_379 : i1 to i32
      %cond3A_381 = arith.constant 0 : i32
      %cond3A_382 = arith.cmpi ne, %convert_element_type3A_380, %cond3A_381 : i32
      scf.if %cond3A_382 {
        %add3A_530 = arith.constant 8 : i32
        %add3A_531 = arith.addi %add3A_335, %add3A_530 : i32
        %mul3A_532 = arith.constant 200 : i32
        %mul3A_533 = arith.muli %add3A_531, %mul3A_532 : i32
        %dma_start3A_534 = arith.constant 0 : i32
        %dma_start3A_535 = arith.constant 0 : i32
        %dma_start3A_536 = tpu.memref_slice %arg10[%dma_start3A_534, %dma_start3A_535] : memref<200x32xi32, #tpu.memory_space<vmem>> -> memref<128x32xi32, #tpu.memory_space<vmem>>
        %dma_start3A_537 = tpu.memref_slice %arg5[%mul3A_533] : memref<25600xi32, #tpu.memory_space<vmem>> -> memref<128xi32, #tpu.memory_space<vmem>>
        %dma_start3A_538 = arith.constant 0 : i32
        %dma_start3A_539 = arith.constant 0 : i32
        %dma_start3A_540 = tpu.memref_slice %arg3[%dma_start3A_538, %dma_start3A_539] : memref<1015808x32xi32, #tpu.memory_space<hbm>> -> memref<1015808x32xi32, #tpu.memory_space<hbm>>
        tpu.enqueue_indirect_dma source(%dma_start3A_540 : memref<1015808x32xi32, #tpu.memory_space<hbm>>) target(%dma_start3A_536 : memref<128x32xi32, #tpu.memory_space<vmem>>) offsets(%dma_start3A_537 : memref<128xi32, #tpu.memory_space<vmem>>) semaphore(%arg19 : memref<!tpu.dma_semaphore, #tpu.memory_space<semaphore_mem>>)
        %mul3A_541 = arith.constant 200 : i32
        %mul3A_542 = arith.muli %add3A_531, %mul3A_541 : i32
        %add3A_543 = arith.constant 128 : i32
        %add3A_544 = arith.addi %mul3A_542, %add3A_543 : i32
        %dma_start3A_545 = arith.constant 128 : i32
        %dma_start3A_546 = arith.constant 0 : i32
        %dma_start3A_547 = tpu.memref_slice %arg10[%dma_start3A_545, %dma_start3A_546] : memref<200x32xi32, #tpu.memory_space<vmem>> -> memref<72x32xi32, #tpu.memory_space<vmem>>
        %dma_start3A_548 = tpu.memref_slice %arg5[%add3A_544] : memref<25600xi32, #tpu.memory_space<vmem>> -> memref<72xi32, #tpu.memory_space<vmem>>
        %dma_start3A_549 = arith.constant 0 : i32
        %dma_start3A_550 = arith.constant 0 : i32
        %dma_start3A_551 = tpu.memref_slice %arg3[%dma_start3A_549, %dma_start3A_550] : memref<1015808x32xi32, #tpu.memory_space<hbm>> -> memref<1015808x32xi32, #tpu.memory_space<hbm>>
        tpu.enqueue_indirect_dma source(%dma_start3A_551 : memref<1015808x32xi32, #tpu.memory_space<hbm>>) target(%dma_start3A_547 : memref<72x32xi32, #tpu.memory_space<vmem>>) offsets(%dma_start3A_548 : memref<72xi32, #tpu.memory_space<vmem>>) semaphore(%arg19 : memref<!tpu.dma_semaphore, #tpu.memory_space<semaphore_mem>>)
      } else {
      }
      %add3A_383 = arith.constant 5 : i32
      %add3A_384 = arith.addi %mul3A_142, %add3A_383 : i32
      %dma_wait3A_385 = arith.constant 0 : i32
      %dma_wait3A_386 = arith.constant 0 : i32
      %dma_wait3A_387 = tpu.memref_slice %arg3[%dma_wait3A_385, %dma_wait3A_386] : memref<1015808x32xi32, #tpu.memory_space<hbm>> -> memref<200x32xi32, #tpu.memory_space<hbm>>
      %dma_wait3A_388 = arith.constant 0 : i32
      %dma_wait3A_389 = arith.constant 0 : i32
      %dma_wait3A_390 = tpu.memref_slice %arg3[%dma_wait3A_388, %dma_wait3A_389] : memref<1015808x32xi32, #tpu.memory_space<hbm>> -> memref<200x32xi32, #tpu.memory_space<hbm>>
      tpu.wait_dma2 semaphore(%arg20 : memref<!tpu.dma_semaphore, #tpu.memory_space<semaphore_mem>>) src(%dma_wait3A_390 : memref<200x32xi32, #tpu.memory_space<hbm>>) dst(%arg11 : memref<200x32xi32, #tpu.memory_space<vmem>>)
      %broadcast_in_dim3A_391 = arith.constant 0.000000e+00 : f32
      %broadcast_in_dim3A_392 = vector.broadcast %broadcast_in_dim3A_391 : f32 to vector<16xf32>
      %broadcast_in_dim3A_393 = arith.constant 0.000000e+00 : f32
      %broadcast_in_dim3A_394 = vector.broadcast %broadcast_in_dim3A_393 : f32 to vector<16xf32>
      %broadcast_in_dim3A_395 = arith.constant 0.000000e+00 : f32
      %broadcast_in_dim3A_396 = vector.broadcast %broadcast_in_dim3A_395 : f32 to vector<16xf32>
      %broadcast_in_dim3A_397 = arith.constant 0.000000e+00 : f32
      %broadcast_in_dim3A_398 = vector.broadcast %broadcast_in_dim3A_397 : f32 to vector<16xf32>
      %parallel_loop3A_399 = arith.constant 0 : i32
      %parallel_loop3A_400 = arith.constant 200 : i32
      %parallel_loop3A_401 = arith.constant 1 : i32
      %parallel_loop3A_402:4 = scf.for %parallel_loop3A_530 = %parallel_loop3A_399 to %parallel_loop3A_400 step %parallel_loop3A_401 iter_args(%parallel_loop3A_531 = %broadcast_in_dim3A_392, %parallel_loop3A_532 = %broadcast_in_dim3A_394, %parallel_loop3A_533 = %broadcast_in_dim3A_396, %parallel_loop3A_534 = %broadcast_in_dim3A_398) -> (vector<16xf32>, vector<16xf32>, vector<16xf32>, vector<16xf32>)  : i32 {
        %parallel_loop3A_535 = arith.index_cast %parallel_loop3A_530 : i32 to index
        %parallel_loop3A_536 = arith.constant 0 : index
        %parallel_loop3A_537 = tpu.vector_load %arg11[%parallel_loop3A_535, %parallel_loop3A_536] {strides = array<i32>} : memref<200x32xi32, #tpu.memory_space<vmem>>, vector<16xi32>,
        %parallel_loop3A_538 = arith.constant 16 : i32
        %parallel_loop3A_539 = vector.broadcast %parallel_loop3A_538 : i32 to vector<16xi32>
        %parallel_loop3A_540 = arith.shli %parallel_loop3A_537, %parallel_loop3A_539 : vector<16xi32>
        %parallel_loop3A_541 = vector.bitcast %parallel_loop3A_540 : vector<16xi32> to vector<16xf32>
        %parallel_loop3A_542 = arith.andi %parallel_loop3A_537, %broadcast_in_dim3A_134 : vector<16xi32>
        %parallel_loop3A_543 = vector.bitcast %parallel_loop3A_542 : vector<16xi32> to vector<16xf32>
        %parallel_loop3A_544 = arith.addf %parallel_loop3A_531, %parallel_loop3A_541 : vector<16xf32>
        %parallel_loop3A_545 = arith.addf %parallel_loop3A_532, %parallel_loop3A_543 : vector<16xf32>
        %parallel_loop3A_546 = arith.index_cast %parallel_loop3A_530 : i32 to index
        %parallel_loop3A_547 = arith.constant 16 : index
        %parallel_loop3A_548 = tpu.vector_load %arg11[%parallel_loop3A_546, %parallel_loop3A_547] {strides = array<i32>} : memref<200x32xi32, #tpu.memory_space<vmem>>, vector<16xi32>,
        %parallel_loop3A_549 = arith.constant 16 : i32
        %parallel_loop3A_550 = vector.broadcast %parallel_loop3A_549 : i32 to vector<16xi32>
        %parallel_loop3A_551 = arith.shli %parallel_loop3A_548, %parallel_loop3A_550 : vector<16xi32>
        %parallel_loop3A_552 = vector.bitcast %parallel_loop3A_551 : vector<16xi32> to vector<16xf32>
        %parallel_loop3A_553 = arith.andi %parallel_loop3A_548, %broadcast_in_dim3A_134 : vector<16xi32>
        %parallel_loop3A_554 = vector.bitcast %parallel_loop3A_553 : vector<16xi32> to vector<16xf32>
        %parallel_loop3A_555 = arith.addf %parallel_loop3A_533, %parallel_loop3A_552 : vector<16xf32>
        %parallel_loop3A_556 = arith.addf %parallel_loop3A_534, %parallel_loop3A_554 : vector<16xf32>
        scf.yield %parallel_loop3A_544, %parallel_loop3A_545, %parallel_loop3A_555, %parallel_loop3A_556 : vector<16xf32>, vector<16xf32>, vector<16xf32>, vector<16xf32>
      } {sc.loop_unroll_factor = 8 : i64, sc.parallel_access}
      %mul3A_403 = arith.constant 5.000000e-03 : f32
      %mul3A_404 = vector.broadcast %mul3A_403 : f32 to vector<16xf32>
      %mul3A_405 = arith.mulf %parallel_loop3A_402#0, %mul3A_404 : vector<16xf32>
      %swap3A_406 = arith.index_cast %add3A_384 : i32 to index
      %swap3A_407 = arith.constant 0 : index
      %swap3A_408 = tpu.vector_load %arg14[%swap3A_406, %swap3A_407] {strides = array<i32>} : memref<128x64xf32, #tpu.memory_space<vmem>>, vector<16xf32>,
      tpu.vector_store %arg14[%swap3A_406, %swap3A_407], %mul3A_405 {strides = array<i32>} : memref<128x64xf32, #tpu.memory_space<vmem>>, vector<16xf32>,
      %mul3A_409 = arith.constant 5.000000e-03 : f32
      %mul3A_410 = vector.broadcast %mul3A_409 : f32 to vector<16xf32>
      %mul3A_411 = arith.mulf %parallel_loop3A_402#1, %mul3A_410 : vector<16xf32>
      %swap3A_412 = arith.index_cast %add3A_384 : i32 to index
      %swap3A_413 = arith.constant 16 : index
      %swap3A_414 = tpu.vector_load %arg14[%swap3A_412, %swap3A_413] {strides = array<i32>} : memref<128x64xf32, #tpu.memory_space<vmem>>, vector<16xf32>,
      tpu.vector_store %arg14[%swap3A_412, %swap3A_413], %mul3A_411 {strides = array<i32>} : memref<128x64xf32, #tpu.memory_space<vmem>>, vector<16xf32>,
      %mul3A_415 = arith.constant 5.000000e-03 : f32
      %mul3A_416 = vector.broadcast %mul3A_415 : f32 to vector<16xf32>
      %mul3A_417 = arith.mulf %parallel_loop3A_402#2, %mul3A_416 : vector<16xf32>
      %swap3A_418 = arith.index_cast %add3A_384 : i32 to index
      %swap3A_419 = arith.constant 32 : index
      %swap3A_420 = tpu.vector_load %arg14[%swap3A_418, %swap3A_419] {strides = array<i32>} : memref<128x64xf32, #tpu.memory_space<vmem>>, vector<16xf32>,
      tpu.vector_store %arg14[%swap3A_418, %swap3A_419], %mul3A_417 {strides = array<i32>} : memref<128x64xf32, #tpu.memory_space<vmem>>, vector<16xf32>,
      %mul3A_421 = arith.constant 5.000000e-03 : f32
      %mul3A_422 = vector.broadcast %mul3A_421 : f32 to vector<16xf32>
      %mul3A_423 = arith.mulf %parallel_loop3A_402#3, %mul3A_422 : vector<16xf32>
      %swap3A_424 = arith.index_cast %add3A_384 : i32 to index
      %swap3A_425 = arith.constant 48 : index
      %swap3A_426 = tpu.vector_load %arg14[%swap3A_424, %swap3A_425] {strides = array<i32>} : memref<128x64xf32, #tpu.memory_space<vmem>>, vector<16xf32>,
      tpu.vector_store %arg14[%swap3A_424, %swap3A_425], %mul3A_423 {strides = array<i32>} : memref<128x64xf32, #tpu.memory_space<vmem>>, vector<16xf32>,
      %lt3A_427 = arith.constant 15 : i32
      %lt3A_428 = arith.cmpi slt, %scan3A_140, %lt3A_427 : i32
      %convert_element_type3A_429 = arith.extui %lt3A_428 : i1 to i32
      %cond3A_430 = arith.constant 0 : i32
      %cond3A_431 = arith.cmpi ne, %convert_element_type3A_429, %cond3A_430 : i32
      scf.if %cond3A_431 {
        %add3A_530 = arith.constant 8 : i32
        %add3A_531 = arith.addi %add3A_384, %add3A_530 : i32
        %mul3A_532 = arith.constant 200 : i32
        %mul3A_533 = arith.muli %add3A_531, %mul3A_532 : i32
        %dma_start3A_534 = arith.constant 0 : i32
        %dma_start3A_535 = arith.constant 0 : i32
        %dma_start3A_536 = tpu.memref_slice %arg11[%dma_start3A_534, %dma_start3A_535] : memref<200x32xi32, #tpu.memory_space<vmem>> -> memref<128x32xi32, #tpu.memory_space<vmem>>
        %dma_start3A_537 = tpu.memref_slice %arg5[%mul3A_533] : memref<25600xi32, #tpu.memory_space<vmem>> -> memref<128xi32, #tpu.memory_space<vmem>>
        %dma_start3A_538 = arith.constant 0 : i32
        %dma_start3A_539 = arith.constant 0 : i32
        %dma_start3A_540 = tpu.memref_slice %arg3[%dma_start3A_538, %dma_start3A_539] : memref<1015808x32xi32, #tpu.memory_space<hbm>> -> memref<1015808x32xi32, #tpu.memory_space<hbm>>
        tpu.enqueue_indirect_dma source(%dma_start3A_540 : memref<1015808x32xi32, #tpu.memory_space<hbm>>) target(%dma_start3A_536 : memref<128x32xi32, #tpu.memory_space<vmem>>) offsets(%dma_start3A_537 : memref<128xi32, #tpu.memory_space<vmem>>) semaphore(%arg20 : memref<!tpu.dma_semaphore, #tpu.memory_space<semaphore_mem>>)
        %mul3A_541 = arith.constant 200 : i32
        %mul3A_542 = arith.muli %add3A_531, %mul3A_541 : i32
        %add3A_543 = arith.constant 128 : i32
        %add3A_544 = arith.addi %mul3A_542, %add3A_543 : i32
        %dma_start3A_545 = arith.constant 128 : i32
        %dma_start3A_546 = arith.constant 0 : i32
        %dma_start3A_547 = tpu.memref_slice %arg11[%dma_start3A_545, %dma_start3A_546] : memref<200x32xi32, #tpu.memory_space<vmem>> -> memref<72x32xi32, #tpu.memory_space<vmem>>
        %dma_start3A_548 = tpu.memref_slice %arg5[%add3A_544] : memref<25600xi32, #tpu.memory_space<vmem>> -> memref<72xi32, #tpu.memory_space<vmem>>
        %dma_start3A_549 = arith.constant 0 : i32
        %dma_start3A_550 = arith.constant 0 : i32
        %dma_start3A_551 = tpu.memref_slice %arg3[%dma_start3A_549, %dma_start3A_550] : memref<1015808x32xi32, #tpu.memory_space<hbm>> -> memref<1015808x32xi32, #tpu.memory_space<hbm>>
        tpu.enqueue_indirect_dma source(%dma_start3A_551 : memref<1015808x32xi32, #tpu.memory_space<hbm>>) target(%dma_start3A_547 : memref<72x32xi32, #tpu.memory_space<vmem>>) offsets(%dma_start3A_548 : memref<72xi32, #tpu.memory_space<vmem>>) semaphore(%arg20 : memref<!tpu.dma_semaphore, #tpu.memory_space<semaphore_mem>>)
      } else {
      }
      %add3A_432 = arith.constant 6 : i32
      %add3A_433 = arith.addi %mul3A_142, %add3A_432 : i32
      %dma_wait3A_434 = arith.constant 0 : i32
      %dma_wait3A_435 = arith.constant 0 : i32
      %dma_wait3A_436 = tpu.memref_slice %arg3[%dma_wait3A_434, %dma_wait3A_435] : memref<1015808x32xi32, #tpu.memory_space<hbm>> -> memref<200x32xi32, #tpu.memory_space<hbm>>
      %dma_wait3A_437 = arith.constant 0 : i32
      %dma_wait3A_438 = arith.constant 0 : i32
      %dma_wait3A_439 = tpu.memref_slice %arg3[%dma_wait3A_437, %dma_wait3A_438] : memref<1015808x32xi32, #tpu.memory_space<hbm>> -> memref<200x32xi32, #tpu.memory_space<hbm>>
      tpu.wait_dma2 semaphore(%arg21 : memref<!tpu.dma_semaphore, #tpu.memory_space<semaphore_mem>>) src(%dma_wait3A_439 : memref<200x32xi32, #tpu.memory_space<hbm>>) dst(%arg12 : memref<200x32xi32, #tpu.memory_space<vmem>>)
      %broadcast_in_dim3A_440 = arith.constant 0.000000e+00 : f32
      %broadcast_in_dim3A_441 = vector.broadcast %broadcast_in_dim3A_440 : f32 to vector<16xf32>
      %broadcast_in_dim3A_442 = arith.constant 0.000000e+00 : f32
      %broadcast_in_dim3A_443 = vector.broadcast %broadcast_in_dim3A_442 : f32 to vector<16xf32>
      %broadcast_in_dim3A_444 = arith.constant 0.000000e+00 : f32
      %broadcast_in_dim3A_445 = vector.broadcast %broadcast_in_dim3A_444 : f32 to vector<16xf32>
      %broadcast_in_dim3A_446 = arith.constant 0.000000e+00 : f32
      %broadcast_in_dim3A_447 = vector.broadcast %broadcast_in_dim3A_446 : f32 to vector<16xf32>
      %parallel_loop3A_448 = arith.constant 0 : i32
      %parallel_loop3A_449 = arith.constant 200 : i32
      %parallel_loop3A_450 = arith.constant 1 : i32
      %parallel_loop3A_451:4 = scf.for %parallel_loop3A_530 = %parallel_loop3A_448 to %parallel_loop3A_449 step %parallel_loop3A_450 iter_args(%parallel_loop3A_531 = %broadcast_in_dim3A_441, %parallel_loop3A_532 = %broadcast_in_dim3A_443, %parallel_loop3A_533 = %broadcast_in_dim3A_445, %parallel_loop3A_534 = %broadcast_in_dim3A_447) -> (vector<16xf32>, vector<16xf32>, vector<16xf32>, vector<16xf32>)  : i32 {
        %parallel_loop3A_535 = arith.index_cast %parallel_loop3A_530 : i32 to index
        %parallel_loop3A_536 = arith.constant 0 : index
        %parallel_loop3A_537 = tpu.vector_load %arg12[%parallel_loop3A_535, %parallel_loop3A_536] {strides = array<i32>} : memref<200x32xi32, #tpu.memory_space<vmem>>, vector<16xi32>,
        %parallel_loop3A_538 = arith.constant 16 : i32
        %parallel_loop3A_539 = vector.broadcast %parallel_loop3A_538 : i32 to vector<16xi32>
        %parallel_loop3A_540 = arith.shli %parallel_loop3A_537, %parallel_loop3A_539 : vector<16xi32>
        %parallel_loop3A_541 = vector.bitcast %parallel_loop3A_540 : vector<16xi32> to vector<16xf32>
        %parallel_loop3A_542 = arith.andi %parallel_loop3A_537, %broadcast_in_dim3A_134 : vector<16xi32>
        %parallel_loop3A_543 = vector.bitcast %parallel_loop3A_542 : vector<16xi32> to vector<16xf32>
        %parallel_loop3A_544 = arith.addf %parallel_loop3A_531, %parallel_loop3A_541 : vector<16xf32>
        %parallel_loop3A_545 = arith.addf %parallel_loop3A_532, %parallel_loop3A_543 : vector<16xf32>
        %parallel_loop3A_546 = arith.index_cast %parallel_loop3A_530 : i32 to index
        %parallel_loop3A_547 = arith.constant 16 : index
        %parallel_loop3A_548 = tpu.vector_load %arg12[%parallel_loop3A_546, %parallel_loop3A_547] {strides = array<i32>} : memref<200x32xi32, #tpu.memory_space<vmem>>, vector<16xi32>,
        %parallel_loop3A_549 = arith.constant 16 : i32
        %parallel_loop3A_550 = vector.broadcast %parallel_loop3A_549 : i32 to vector<16xi32>
        %parallel_loop3A_551 = arith.shli %parallel_loop3A_548, %parallel_loop3A_550 : vector<16xi32>
        %parallel_loop3A_552 = vector.bitcast %parallel_loop3A_551 : vector<16xi32> to vector<16xf32>
        %parallel_loop3A_553 = arith.andi %parallel_loop3A_548, %broadcast_in_dim3A_134 : vector<16xi32>
        %parallel_loop3A_554 = vector.bitcast %parallel_loop3A_553 : vector<16xi32> to vector<16xf32>
        %parallel_loop3A_555 = arith.addf %parallel_loop3A_533, %parallel_loop3A_552 : vector<16xf32>
        %parallel_loop3A_556 = arith.addf %parallel_loop3A_534, %parallel_loop3A_554 : vector<16xf32>
        scf.yield %parallel_loop3A_544, %parallel_loop3A_545, %parallel_loop3A_555, %parallel_loop3A_556 : vector<16xf32>, vector<16xf32>, vector<16xf32>, vector<16xf32>
      } {sc.loop_unroll_factor = 8 : i64, sc.parallel_access}
      %mul3A_452 = arith.constant 5.000000e-03 : f32
      %mul3A_453 = vector.broadcast %mul3A_452 : f32 to vector<16xf32>
      %mul3A_454 = arith.mulf %parallel_loop3A_451#0, %mul3A_453 : vector<16xf32>
      %swap3A_455 = arith.index_cast %add3A_433 : i32 to index
      %swap3A_456 = arith.constant 0 : index
      %swap3A_457 = tpu.vector_load %arg14[%swap3A_455, %swap3A_456] {strides = array<i32>} : memref<128x64xf32, #tpu.memory_space<vmem>>, vector<16xf32>,
      tpu.vector_store %arg14[%swap3A_455, %swap3A_456], %mul3A_454 {strides = array<i32>} : memref<128x64xf32, #tpu.memory_space<vmem>>, vector<16xf32>,
      %mul3A_458 = arith.constant 5.000000e-03 : f32
      %mul3A_459 = vector.broadcast %mul3A_458 : f32 to vector<16xf32>
      %mul3A_460 = arith.mulf %parallel_loop3A_451#1, %mul3A_459 : vector<16xf32>
      %swap3A_461 = arith.index_cast %add3A_433 : i32 to index
      %swap3A_462 = arith.constant 16 : index
      %swap3A_463 = tpu.vector_load %arg14[%swap3A_461, %swap3A_462] {strides = array<i32>} : memref<128x64xf32, #tpu.memory_space<vmem>>, vector<16xf32>,
      tpu.vector_store %arg14[%swap3A_461, %swap3A_462], %mul3A_460 {strides = array<i32>} : memref<128x64xf32, #tpu.memory_space<vmem>>, vector<16xf32>,
      %mul3A_464 = arith.constant 5.000000e-03 : f32
      %mul3A_465 = vector.broadcast %mul3A_464 : f32 to vector<16xf32>
      %mul3A_466 = arith.mulf %parallel_loop3A_451#2, %mul3A_465 : vector<16xf32>
      %swap3A_467 = arith.index_cast %add3A_433 : i32 to index
      %swap3A_468 = arith.constant 32 : index
      %swap3A_469 = tpu.vector_load %arg14[%swap3A_467, %swap3A_468] {strides = array<i32>} : memref<128x64xf32, #tpu.memory_space<vmem>>, vector<16xf32>,
      tpu.vector_store %arg14[%swap3A_467, %swap3A_468], %mul3A_466 {strides = array<i32>} : memref<128x64xf32, #tpu.memory_space<vmem>>, vector<16xf32>,
      %mul3A_470 = arith.constant 5.000000e-03 : f32
      %mul3A_471 = vector.broadcast %mul3A_470 : f32 to vector<16xf32>
      %mul3A_472 = arith.mulf %parallel_loop3A_451#3, %mul3A_471 : vector<16xf32>
      %swap3A_473 = arith.index_cast %add3A_433 : i32 to index
      %swap3A_474 = arith.constant 48 : index
      %swap3A_475 = tpu.vector_load %arg14[%swap3A_473, %swap3A_474] {strides = array<i32>} : memref<128x64xf32, #tpu.memory_space<vmem>>, vector<16xf32>,
      tpu.vector_store %arg14[%swap3A_473, %swap3A_474], %mul3A_472 {strides = array<i32>} : memref<128x64xf32, #tpu.memory_space<vmem>>, vector<16xf32>,
      %lt3A_476 = arith.constant 15 : i32
      %lt3A_477 = arith.cmpi slt, %scan3A_140, %lt3A_476 : i32
      %convert_element_type3A_478 = arith.extui %lt3A_477 : i1 to i32
      %cond3A_479 = arith.constant 0 : i32
      %cond3A_480 = arith.cmpi ne, %convert_element_type3A_478, %cond3A_479 : i32
      scf.if %cond3A_480 {
        %add3A_530 = arith.constant 8 : i32
        %add3A_531 = arith.addi %add3A_433, %add3A_530 : i32
        %mul3A_532 = arith.constant 200 : i32
        %mul3A_533 = arith.muli %add3A_531, %mul3A_532 : i32
        %dma_start3A_534 = arith.constant 0 : i32
        %dma_start3A_535 = arith.constant 0 : i32
        %dma_start3A_536 = tpu.memref_slice %arg12[%dma_start3A_534, %dma_start3A_535] : memref<200x32xi32, #tpu.memory_space<vmem>> -> memref<128x32xi32, #tpu.memory_space<vmem>>
        %dma_start3A_537 = tpu.memref_slice %arg5[%mul3A_533] : memref<25600xi32, #tpu.memory_space<vmem>> -> memref<128xi32, #tpu.memory_space<vmem>>
        %dma_start3A_538 = arith.constant 0 : i32
        %dma_start3A_539 = arith.constant 0 : i32
        %dma_start3A_540 = tpu.memref_slice %arg3[%dma_start3A_538, %dma_start3A_539] : memref<1015808x32xi32, #tpu.memory_space<hbm>> -> memref<1015808x32xi32, #tpu.memory_space<hbm>>
        tpu.enqueue_indirect_dma source(%dma_start3A_540 : memref<1015808x32xi32, #tpu.memory_space<hbm>>) target(%dma_start3A_536 : memref<128x32xi32, #tpu.memory_space<vmem>>) offsets(%dma_start3A_537 : memref<128xi32, #tpu.memory_space<vmem>>) semaphore(%arg21 : memref<!tpu.dma_semaphore, #tpu.memory_space<semaphore_mem>>)
        %mul3A_541 = arith.constant 200 : i32
        %mul3A_542 = arith.muli %add3A_531, %mul3A_541 : i32
        %add3A_543 = arith.constant 128 : i32
        %add3A_544 = arith.addi %mul3A_542, %add3A_543 : i32
        %dma_start3A_545 = arith.constant 128 : i32
        %dma_start3A_546 = arith.constant 0 : i32
        %dma_start3A_547 = tpu.memref_slice %arg12[%dma_start3A_545, %dma_start3A_546] : memref<200x32xi32, #tpu.memory_space<vmem>> -> memref<72x32xi32, #tpu.memory_space<vmem>>
        %dma_start3A_548 = tpu.memref_slice %arg5[%add3A_544] : memref<25600xi32, #tpu.memory_space<vmem>> -> memref<72xi32, #tpu.memory_space<vmem>>
        %dma_start3A_549 = arith.constant 0 : i32
        %dma_start3A_550 = arith.constant 0 : i32
        %dma_start3A_551 = tpu.memref_slice %arg3[%dma_start3A_549, %dma_start3A_550] : memref<1015808x32xi32, #tpu.memory_space<hbm>> -> memref<1015808x32xi32, #tpu.memory_space<hbm>>
        tpu.enqueue_indirect_dma source(%dma_start3A_551 : memref<1015808x32xi32, #tpu.memory_space<hbm>>) target(%dma_start3A_547 : memref<72x32xi32, #tpu.memory_space<vmem>>) offsets(%dma_start3A_548 : memref<72xi32, #tpu.memory_space<vmem>>) semaphore(%arg21 : memref<!tpu.dma_semaphore, #tpu.memory_space<semaphore_mem>>)
      } else {
      }
      %add3A_481 = arith.constant 7 : i32
      %add3A_482 = arith.addi %mul3A_142, %add3A_481 : i32
      %dma_wait3A_483 = arith.constant 0 : i32
      %dma_wait3A_484 = arith.constant 0 : i32
      %dma_wait3A_485 = tpu.memref_slice %arg3[%dma_wait3A_483, %dma_wait3A_484] : memref<1015808x32xi32, #tpu.memory_space<hbm>> -> memref<200x32xi32, #tpu.memory_space<hbm>>
      %dma_wait3A_486 = arith.constant 0 : i32
      %dma_wait3A_487 = arith.constant 0 : i32
      %dma_wait3A_488 = tpu.memref_slice %arg3[%dma_wait3A_486, %dma_wait3A_487] : memref<1015808x32xi32, #tpu.memory_space<hbm>> -> memref<200x32xi32, #tpu.memory_space<hbm>>
      tpu.wait_dma2 semaphore(%arg22 : memref<!tpu.dma_semaphore, #tpu.memory_space<semaphore_mem>>) src(%dma_wait3A_488 : memref<200x32xi32, #tpu.memory_space<hbm>>) dst(%arg13 : memref<200x32xi32, #tpu.memory_space<vmem>>)
      %broadcast_in_dim3A_489 = arith.constant 0.000000e+00 : f32
      %broadcast_in_dim3A_490 = vector.broadcast %broadcast_in_dim3A_489 : f32 to vector<16xf32>
      %broadcast_in_dim3A_491 = arith.constant 0.000000e+00 : f32
      %broadcast_in_dim3A_492 = vector.broadcast %broadcast_in_dim3A_491 : f32 to vector<16xf32>
      %broadcast_in_dim3A_493 = arith.constant 0.000000e+00 : f32
      %broadcast_in_dim3A_494 = vector.broadcast %broadcast_in_dim3A_493 : f32 to vector<16xf32>
      %broadcast_in_dim3A_495 = arith.constant 0.000000e+00 : f32
      %broadcast_in_dim3A_496 = vector.broadcast %broadcast_in_dim3A_495 : f32 to vector<16xf32>
      %parallel_loop3A_497 = arith.constant 0 : i32
      %parallel_loop3A_498 = arith.constant 200 : i32
      %parallel_loop3A_499 = arith.constant 1 : i32
      %parallel_loop3A_500:4 = scf.for %parallel_loop3A_530 = %parallel_loop3A_497 to %parallel_loop3A_498 step %parallel_loop3A_499 iter_args(%parallel_loop3A_531 = %broadcast_in_dim3A_490, %parallel_loop3A_532 = %broadcast_in_dim3A_492, %parallel_loop3A_533 = %broadcast_in_dim3A_494, %parallel_loop3A_534 = %broadcast_in_dim3A_496) -> (vector<16xf32>, vector<16xf32>, vector<16xf32>, vector<16xf32>)  : i32 {
        %parallel_loop3A_535 = arith.index_cast %parallel_loop3A_530 : i32 to index
        %parallel_loop3A_536 = arith.constant 0 : index
        %parallel_loop3A_537 = tpu.vector_load %arg13[%parallel_loop3A_535, %parallel_loop3A_536] {strides = array<i32>} : memref<200x32xi32, #tpu.memory_space<vmem>>, vector<16xi32>,
        %parallel_loop3A_538 = arith.constant 16 : i32
        %parallel_loop3A_539 = vector.broadcast %parallel_loop3A_538 : i32 to vector<16xi32>
        %parallel_loop3A_540 = arith.shli %parallel_loop3A_537, %parallel_loop3A_539 : vector<16xi32>
        %parallel_loop3A_541 = vector.bitcast %parallel_loop3A_540 : vector<16xi32> to vector<16xf32>
        %parallel_loop3A_542 = arith.andi %parallel_loop3A_537, %broadcast_in_dim3A_134 : vector<16xi32>
        %parallel_loop3A_543 = vector.bitcast %parallel_loop3A_542 : vector<16xi32> to vector<16xf32>
        %parallel_loop3A_544 = arith.addf %parallel_loop3A_531, %parallel_loop3A_541 : vector<16xf32>
        %parallel_loop3A_545 = arith.addf %parallel_loop3A_532, %parallel_loop3A_543 : vector<16xf32>
        %parallel_loop3A_546 = arith.index_cast %parallel_loop3A_530 : i32 to index
        %parallel_loop3A_547 = arith.constant 16 : index
        %parallel_loop3A_548 = tpu.vector_load %arg13[%parallel_loop3A_546, %parallel_loop3A_547] {strides = array<i32>} : memref<200x32xi32, #tpu.memory_space<vmem>>, vector<16xi32>,
        %parallel_loop3A_549 = arith.constant 16 : i32
        %parallel_loop3A_550 = vector.broadcast %parallel_loop3A_549 : i32 to vector<16xi32>
        %parallel_loop3A_551 = arith.shli %parallel_loop3A_548, %parallel_loop3A_550 : vector<16xi32>
        %parallel_loop3A_552 = vector.bitcast %parallel_loop3A_551 : vector<16xi32> to vector<16xf32>
        %parallel_loop3A_553 = arith.andi %parallel_loop3A_548, %broadcast_in_dim3A_134 : vector<16xi32>
        %parallel_loop3A_554 = vector.bitcast %parallel_loop3A_553 : vector<16xi32> to vector<16xf32>
        %parallel_loop3A_555 = arith.addf %parallel_loop3A_533, %parallel_loop3A_552 : vector<16xf32>
        %parallel_loop3A_556 = arith.addf %parallel_loop3A_534, %parallel_loop3A_554 : vector<16xf32>
        scf.yield %parallel_loop3A_544, %parallel_loop3A_545, %parallel_loop3A_555, %parallel_loop3A_556 : vector<16xf32>, vector<16xf32>, vector<16xf32>, vector<16xf32>
      } {sc.loop_unroll_factor = 8 : i64, sc.parallel_access}
      %mul3A_501 = arith.constant 5.000000e-03 : f32
      %mul3A_502 = vector.broadcast %mul3A_501 : f32 to vector<16xf32>
      %mul3A_503 = arith.mulf %parallel_loop3A_500#0, %mul3A_502 : vector<16xf32>
      %swap3A_504 = arith.index_cast %add3A_482 : i32 to index
      %swap3A_505 = arith.constant 0 : index
      %swap3A_506 = tpu.vector_load %arg14[%swap3A_504, %swap3A_505] {strides = array<i32>} : memref<128x64xf32, #tpu.memory_space<vmem>>, vector<16xf32>,
      tpu.vector_store %arg14[%swap3A_504, %swap3A_505], %mul3A_503 {strides = array<i32>} : memref<128x64xf32, #tpu.memory_space<vmem>>, vector<16xf32>,
      %mul3A_507 = arith.constant 5.000000e-03 : f32
      %mul3A_508 = vector.broadcast %mul3A_507 : f32 to vector<16xf32>
      %mul3A_509 = arith.mulf %parallel_loop3A_500#1, %mul3A_508 : vector<16xf32>
      %swap3A_510 = arith.index_cast %add3A_482 : i32 to index
      %swap3A_511 = arith.constant 16 : index
      %swap3A_512 = tpu.vector_load %arg14[%swap3A_510, %swap3A_511] {strides = array<i32>} : memref<128x64xf32, #tpu.memory_space<vmem>>, vector<16xf32>,
      tpu.vector_store %arg14[%swap3A_510, %swap3A_511], %mul3A_509 {strides = array<i32>} : memref<128x64xf32, #tpu.memory_space<vmem>>, vector<16xf32>,
      %mul3A_513 = arith.constant 5.000000e-03 : f32
      %mul3A_514 = vector.broadcast %mul3A_513 : f32 to vector<16xf32>
      %mul3A_515 = arith.mulf %parallel_loop3A_500#2, %mul3A_514 : vector<16xf32>
      %swap3A_516 = arith.index_cast %add3A_482 : i32 to index
      %swap3A_517 = arith.constant 32 : index
      %swap3A_518 = tpu.vector_load %arg14[%swap3A_516, %swap3A_517] {strides = array<i32>} : memref<128x64xf32, #tpu.memory_space<vmem>>, vector<16xf32>,
      tpu.vector_store %arg14[%swap3A_516, %swap3A_517], %mul3A_515 {strides = array<i32>} : memref<128x64xf32, #tpu.memory_space<vmem>>, vector<16xf32>,
      %mul3A_519 = arith.constant 5.000000e-03 : f32
      %mul3A_520 = vector.broadcast %mul3A_519 : f32 to vector<16xf32>
      %mul3A_521 = arith.mulf %parallel_loop3A_500#3, %mul3A_520 : vector<16xf32>
      %swap3A_522 = arith.index_cast %add3A_482 : i32 to index
      %swap3A_523 = arith.constant 48 : index
      %swap3A_524 = tpu.vector_load %arg14[%swap3A_522, %swap3A_523] {strides = array<i32>} : memref<128x64xf32, #tpu.memory_space<vmem>>, vector<16xf32>,
      tpu.vector_store %arg14[%swap3A_522, %swap3A_523], %mul3A_521 {strides = array<i32>} : memref<128x64xf32, #tpu.memory_space<vmem>>, vector<16xf32>,
      %lt3A_525 = arith.constant 15 : i32
      %lt3A_526 = arith.cmpi slt, %scan3A_140, %lt3A_525 : i32
      %convert_element_type3A_527 = arith.extui %lt3A_526 : i1 to i32
      %cond3A_528 = arith.constant 0 : i32
      %cond3A_529 = arith.cmpi ne, %convert_element_type3A_527, %cond3A_528 : i32
      scf.if %cond3A_529 {
        %add3A_530 = arith.constant 8 : i32
        %add3A_531 = arith.addi %add3A_482, %add3A_530 : i32
        %mul3A_532 = arith.constant 200 : i32
        %mul3A_533 = arith.muli %add3A_531, %mul3A_532 : i32
        %dma_start3A_534 = arith.constant 0 : i32
        %dma_start3A_535 = arith.constant 0 : i32
        %dma_start3A_536 = tpu.memref_slice %arg13[%dma_start3A_534, %dma_start3A_535] : memref<200x32xi32, #tpu.memory_space<vmem>> -> memref<128x32xi32, #tpu.memory_space<vmem>>
        %dma_start3A_537 = tpu.memref_slice %arg5[%mul3A_533] : memref<25600xi32, #tpu.memory_space<vmem>> -> memref<128xi32, #tpu.memory_space<vmem>>
        %dma_start3A_538 = arith.constant 0 : i32
        %dma_start3A_539 = arith.constant 0 : i32
        %dma_start3A_540 = tpu.memref_slice %arg3[%dma_start3A_538, %dma_start3A_539] : memref<1015808x32xi32, #tpu.memory_space<hbm>> -> memref<1015808x32xi32, #tpu.memory_space<hbm>>
        tpu.enqueue_indirect_dma source(%dma_start3A_540 : memref<1015808x32xi32, #tpu.memory_space<hbm>>) target(%dma_start3A_536 : memref<128x32xi32, #tpu.memory_space<vmem>>) offsets(%dma_start3A_537 : memref<128xi32, #tpu.memory_space<vmem>>) semaphore(%arg22 : memref<!tpu.dma_semaphore, #tpu.memory_space<semaphore_mem>>)
        %mul3A_541 = arith.constant 200 : i32
        %mul3A_542 = arith.muli %add3A_531, %mul3A_541 : i32
        %add3A_543 = arith.constant 128 : i32
        %add3A_544 = arith.addi %mul3A_542, %add3A_543 : i32
        %dma_start3A_545 = arith.constant 128 : i32
        %dma_start3A_546 = arith.constant 0 : i32
        %dma_start3A_547 = tpu.memref_slice %arg13[%dma_start3A_545, %dma_start3A_546] : memref<200x32xi32, #tpu.memory_space<vmem>> -> memref<72x32xi32, #tpu.memory_space<vmem>>
        %dma_start3A_548 = tpu.memref_slice %arg5[%add3A_544] : memref<25600xi32, #tpu.memory_space<vmem>> -> memref<72xi32, #tpu.memory_space<vmem>>
        %dma_start3A_549 = arith.constant 0 : i32
        %dma_start3A_550 = arith.constant 0 : i32
        %dma_start3A_551 = tpu.memref_slice %arg3[%dma_start3A_549, %dma_start3A_550] : memref<1015808x32xi32, #tpu.memory_space<hbm>> -> memref<1015808x32xi32, #tpu.memory_space<hbm>>
        tpu.enqueue_indirect_dma source(%dma_start3A_551 : memref<1015808x32xi32, #tpu.memory_space<hbm>>) target(%dma_start3A_547 : memref<72x32xi32, #tpu.memory_space<vmem>>) offsets(%dma_start3A_548 : memref<72xi32, #tpu.memory_space<vmem>>) semaphore(%arg22 : memref<!tpu.dma_semaphore, #tpu.memory_space<semaphore_mem>>)
      } else {
      }
    }
    %scan3A_139 = arith.constant 16 : i32
    "tpu.region"() ({
      %run_scoped3A = tpu.sem_alloc : memref<!tpu.dma_semaphore, #tpu.memory_space<semaphore_mem>>
      %dma_start3A_140 = arith.constant 0 : i32
      %dma_start3A_141 = tpu.memref_slice %arg4[%mul3A_2, %dma_start3A_140] : memref<4096x64xf32, #tpu.memory_space<hbm>> -> memref<128x64xf32, #tpu.memory_space<hbm>>
      %dma_start3A_142 = arith.constant 0 : i32
      %dma_start3A_143 = tpu.memref_slice %arg4[%mul3A_2, %dma_start3A_142] : memref<4096x64xf32, #tpu.memory_space<hbm>> -> memref<128x64xf32, #tpu.memory_space<hbm>>
      tpu.enqueue_dma source(%arg14 : memref<128x64xf32, #tpu.memory_space<vmem>>) target(%dma_start3A_143 : memref<128x64xf32, #tpu.memory_space<hbm>>) target_semaphore(%run_scoped3A : memref<!tpu.dma_semaphore, #tpu.memory_space<semaphore_mem>>)
      %dma_wait3A = arith.constant 0 : i32
      %dma_wait3A_144 = tpu.memref_slice %arg4[%mul3A_2, %dma_wait3A] : memref<4096x64xf32, #tpu.memory_space<hbm>> -> memref<128x64xf32, #tpu.memory_space<hbm>>
      %dma_wait3A_145 = arith.constant 0 : i32
      %dma_wait3A_146 = tpu.memref_slice %arg4[%mul3A_2, %dma_wait3A_145] : memref<4096x64xf32, #tpu.memory_space<hbm>> -> memref<128x64xf32, #tpu.memory_space<hbm>>
      tpu.wait_dma2 semaphore(%run_scoped3A : memref<!tpu.dma_semaphore, #tpu.memory_space<semaphore_mem>>) src(%arg14 : memref<128x64xf32, #tpu.memory_space<vmem>>) dst(%dma_wait3A_146 : memref<128x64xf32, #tpu.memory_space<hbm>>)
      tpu.yield
    }) : () -> ()
    return
  }
}

module attributes {stable_mosaic.version = 14 : i64} {
  func.func @body(%arg0: i32, %arg1: memref<64x32768xf32, #tpu.memory_space<vmem>>, %arg2: memref<8192x128xi32, #tpu.memory_space<vmem>>) attributes {dimension_semantics = [#tpu.dimension_semantics<arbitrary>], iteration_bounds = array<i64: 31>, scalar_prefetch = 0 : i64, scratch_operands = 0 : i64, tpu.core_type = #tpu.core_type<tc>, window_params = [{transform_indices = @transform_0, window_bounds = array<i64: 64, 32768>}, {transform_indices = @transform_1, window_bounds = array<i64: 8192, 128>}]} {
    %get3A = arith.constant 0 : index
    %get3A_0 = arith.constant 0 : index
    %get3A_1 = vector.load %arg1[%get3A, %get3A_0] : memref<64x32768xf32, #tpu.memory_space<vmem>>, vector<64x32768xf32>
    %slice3A = vector.extract_strided_slice %get3A_1 {offsets = [0, 0], sizes = [32, 8192], strides = [1, 1]} : vector<64x32768xf32> to vector<32x8192xf32>
    %slice3A_2 = vector.extract_strided_slice %get3A_1 {offsets = [0, 8192], sizes = [32, 8192], strides = [1, 1]} : vector<64x32768xf32> to vector<32x8192xf32>
    %slice3A_3 = vector.extract_strided_slice %get3A_1 {offsets = [0, 16384], sizes = [32, 8192], strides = [1, 1]} : vector<64x32768xf32> to vector<32x8192xf32>
    %slice3A_4 = vector.extract_strided_slice %get3A_1 {offsets = [0, 24576], sizes = [32, 8192], strides = [1, 1]} : vector<64x32768xf32> to vector<32x8192xf32>
    %concatenate3A = tpu.concatenate %slice3A, %slice3A_2, %slice3A_3, %slice3A_4 in 0 : vector<32x8192xf32>, vector<32x8192xf32>, vector<32x8192xf32>, vector<32x8192xf32> -> vector<128x8192xf32>
    %slice3A_5 = vector.extract_strided_slice %get3A_1 {offsets = [32, 0], sizes = [32, 8192], strides = [1, 1]} : vector<64x32768xf32> to vector<32x8192xf32>
    %slice3A_6 = vector.extract_strided_slice %get3A_1 {offsets = [32, 8192], sizes = [32, 8192], strides = [1, 1]} : vector<64x32768xf32> to vector<32x8192xf32>
    %slice3A_7 = vector.extract_strided_slice %get3A_1 {offsets = [32, 16384], sizes = [32, 8192], strides = [1, 1]} : vector<64x32768xf32> to vector<32x8192xf32>
    %slice3A_8 = vector.extract_strided_slice %get3A_1 {offsets = [32, 24576], sizes = [32, 8192], strides = [1, 1]} : vector<64x32768xf32> to vector<32x8192xf32>
    %concatenate3A_9 = tpu.concatenate %slice3A_5, %slice3A_6, %slice3A_7, %slice3A_8 in 0 : vector<32x8192xf32>, vector<32x8192xf32>, vector<32x8192xf32>, vector<32x8192xf32> -> vector<128x8192xf32>
    %transpose3A = tpu.transpose %concatenate3A, [1, 0] : vector<128x8192xf32> -> vector<8192x128xf32>
    %bitcast_convert_type3A = tpu.bitcast %transpose3A : vector<8192x128xf32> -> vector<8192x128xi32>
    %add3A = arith.constant 32767 : i32
    %add3A_10 = vector.broadcast %add3A : i32 to vector<8192x128xi32>
    %add3A_11 = arith.addi %bitcast_convert_type3A, %add3A_10 : vector<8192x128xi32>
    %shift_right_arithmetic3A = arith.constant 16 : i32
    %shift_right_arithmetic3A_12 = vector.broadcast %shift_right_arithmetic3A : i32 to vector<8192x128xi32>
    %shift_right_arithmetic3A_13 = arith.shrsi %bitcast_convert_type3A, %shift_right_arithmetic3A_12 : vector<8192x128xi32>
    %and3A = arith.constant 1 : i32
    %and3A_14 = vector.broadcast %and3A : i32 to vector<8192x128xi32>
    %and3A_15 = arith.andi %shift_right_arithmetic3A_13, %and3A_14 : vector<8192x128xi32>
    %add3A_16 = arith.addi %add3A_11, %and3A_15 : vector<8192x128xi32>
    %shift_right_arithmetic3A_17 = arith.constant 16 : i32
    %shift_right_arithmetic3A_18 = vector.broadcast %shift_right_arithmetic3A_17 : i32 to vector<8192x128xi32>
    %shift_right_arithmetic3A_19 = arith.shrsi %add3A_16, %shift_right_arithmetic3A_18 : vector<8192x128xi32>
    %and3A_20 = arith.constant 65535 : i32
    %and3A_21 = vector.broadcast %and3A_20 : i32 to vector<8192x128xi32>
    %and3A_22 = arith.andi %shift_right_arithmetic3A_19, %and3A_21 : vector<8192x128xi32>
    %transpose3A_23 = tpu.transpose %concatenate3A_9, [1, 0] : vector<128x8192xf32> -> vector<8192x128xf32>
    %bitcast_convert_type3A_24 = tpu.bitcast %transpose3A_23 : vector<8192x128xf32> -> vector<8192x128xi32>
    %add3A_25 = arith.constant 32767 : i32
    %add3A_26 = vector.broadcast %add3A_25 : i32 to vector<8192x128xi32>
    %add3A_27 = arith.addi %bitcast_convert_type3A_24, %add3A_26 : vector<8192x128xi32>
    %shift_right_arithmetic3A_28 = arith.constant 16 : i32
    %shift_right_arithmetic3A_29 = vector.broadcast %shift_right_arithmetic3A_28 : i32 to vector<8192x128xi32>
    %shift_right_arithmetic3A_30 = arith.shrsi %bitcast_convert_type3A_24, %shift_right_arithmetic3A_29 : vector<8192x128xi32>
    %and3A_31 = arith.constant 1 : i32
    %and3A_32 = vector.broadcast %and3A_31 : i32 to vector<8192x128xi32>
    %and3A_33 = arith.andi %shift_right_arithmetic3A_30, %and3A_32 : vector<8192x128xi32>
    %add3A_34 = arith.addi %add3A_27, %and3A_33 : vector<8192x128xi32>
    %shift_right_arithmetic3A_35 = arith.constant 16 : i32
    %shift_right_arithmetic3A_36 = vector.broadcast %shift_right_arithmetic3A_35 : i32 to vector<8192x128xi32>
    %shift_right_arithmetic3A_37 = arith.shrsi %add3A_34, %shift_right_arithmetic3A_36 : vector<8192x128xi32>
    %shift_left3A = arith.constant 16 : i32
    %shift_left3A_38 = vector.broadcast %shift_left3A : i32 to vector<8192x128xi32>
    %shift_left3A_39 = arith.shli %shift_right_arithmetic3A_37, %shift_left3A_38 : vector<8192x128xi32>
    %or3A = arith.ori %and3A_22, %shift_left3A_39 : vector<8192x128xi32>
    %swap3A = arith.constant 0 : index
    %swap3A_40 = arith.constant 0 : index
    %swap3A_41 = vector.load %arg2[%swap3A, %swap3A_40] : memref<8192x128xi32, #tpu.memory_space<vmem>>, vector<8192x128xi32>
    tpu.vector_store %arg2[%swap3A, %swap3A_40], %or3A {strides = array<i32>} : memref<8192x128xi32, #tpu.memory_space<vmem>>, vector<8192x128xi32>,
    return
  }
  func.func @transform_0(%arg0: i32) -> (i32, i32) {
    %c0_i32 = arith.constant 0 : i32
    %c0_i32_0 = arith.constant 0 : i32
    return %c0_i32, %arg0 : i32, i32
  }
  func.func @transform_1(%arg0: i32) -> (i32, i32) {
    %c0_i32 = arith.constant 0 : i32
    %c0_i32_0 = arith.constant 0 : i32
    return %arg0, %c0_i32 : i32, i32
  }
}

module attributes {stable_mosaic.version = 14 : i64} {
  func.func @mm(%arg0: memref<4096x64xf32, #tpu.memory_space<vmem>>, %arg1: memref<64x64xf32, #tpu.memory_space<vmem>>, %arg2: memref<1x64xf32, #tpu.memory_space<vmem>>, %arg3: memref<4096x64xf32, #tpu.memory_space<vmem>>) attributes {dimension_semantics = [], scalar_prefetch = 0 : i64, scratch_operands = 0 : i64, tpu.core_type = #tpu.core_type<tc>} {
    %get3A = arith.constant 0 : index
    %get3A_0 = arith.constant 0 : index
    %get3A_1 = vector.load %arg0[%get3A, %get3A_0] : memref<4096x64xf32, #tpu.memory_space<vmem>>, vector<4096x64xf32>
    %get3A_2 = arith.constant 0 : index
    %get3A_3 = arith.constant 0 : index
    %get3A_4 = vector.load %arg1[%get3A_2, %get3A_3] : memref<64x64xf32, #tpu.memory_space<vmem>>, vector<64x64xf32>
    %dot_general3A = arith.constant dense<0.000000e+00> : vector<4096x64xf32>
    %dot_general3A_5 = tpu.matmul %get3A_1, %get3A_4, %dot_general3A {dimension_numbers = #tpu.dot_dimension_numbers<[1], [0], [0], [1], [0, 0, 1, 1], [], []>, transpose_lhs_hint = false} : vector<4096x64xf32>, vector<64x64xf32>, vector<4096x64xf32> -> vector<4096x64xf32>
    %get3A_6 = arith.constant 0 : index
    %get3A_7 = arith.constant 0 : index
    %get3A_8 = vector.load %arg2[%get3A_6, %get3A_7] : memref<1x64xf32, #tpu.memory_space<vmem>>, vector<1x64xf32>
    %add3A = vector.broadcast %get3A_8 : vector<1x64xf32> to vector<4096x64xf32>
    %add3A_9 = arith.addf %dot_general3A_5, %add3A : vector<4096x64xf32>
    %swap3A = arith.constant 0 : index
    %swap3A_10 = arith.constant 0 : index
    %swap3A_11 = vector.load %arg3[%swap3A, %swap3A_10] : memref<4096x64xf32, #tpu.memory_space<vmem>>, vector<4096x64xf32>
    tpu.vector_store %arg3[%swap3A, %swap3A_10], %add3A_9 {strides = array<i32>} : memref<4096x64xf32, #tpu.memory_space<vmem>>, vector<4096x64xf32>,
    return
  }
}

</mosaic_0001>

<sc_bundles>
// kernel: kernel.5.cloned.1.call-start
scs
__scs_entry_jumppad:
0x0: {  	(pc) =	sbr.rel $0x88, $3  }
0x1: {  	(tag) =	ssettag $0x0;
	lr =	simm.s32 $0x1  }
0x2: {  	[smem:$0x3F9D] =	sst lr;
	_ =	strace $0xD0000000  }
0x3: {  	_ = 	snop  }
0x4: {  	_ = 	snop  }
0x5: {  	_ = 	snop  }
0x6: {  	_ = 	snop  }
0x7: {  	_ = 	snop  }
__scs_overlays_trampoline_lowered:
0x8: {  	[smem:$0x3FAC] =	sst s0  }
0x9: {  	[smem:$0x3FAD] =	sst s1  }
0xa: {  	[smem:$0x3FAE] =	sst s2  }
0xb: {  	[smem:$0x3FAF] =	sst s3  }
0xc: {  	[smem:$0x3FB0] =	sst s4  }
0xd: {  	[smem:$0x3FB1] =	sst s5  }
0xe: {  	[smem:$0x3FB2] =	sst s6  }
0xf: {  	[smem:$0x3FB3] =	sst s7  }
0x10: {  	[smem:$0x3FB4] =	sst s8  }
0x11: {  	[smem:$0x3FB5] =	sst s9;
	s0 =	simm.s32 @!p0 $0x0  }
0x12: {  	s1 =	sld [smem:$0x3F9B];
	s0 =	simm.s32 @p0 $0x1  }
0x13: {  	[smem:$0x3FB6] =	sst s0;
	s0 =	simm.s32 @!p1 $0x0  }
0x14: {  	s2 =	sld [smem:$0x3F9A];
	s0 =	simm.s32 @p1 $0x1  }
0x15: {  	[smem:$0x3FB7] =	sst s0;
	s0 =	simm.s32 @!p2 $0x0  }
0x16: {  	s3 =	sld [smem:$0x3FDB];
	s0 =	simm.s32 @p2 $0x1  }
0x17: {  	s4 =	simm.s32 $0x1BF5;
	[smem:$0x3FB9] =	sst s0  }
0x18: {  	s0 =	sld [smem:$0x3F9C];
	_ =	swait.ge [sflag:s4], $0x0  }
0x19: {  	s7 =	sld [smem:$0x3F9D]  }
0x1a: {  	s8 =	sadd.s32 $0xFFFFE003, lr  }
0x1b: {  	s9 =	sadd.s32 $0xFFFFFEF7, lr;
	s5 =	simm.s32 $0xFFFFFFFF;
	p2 =	slt.u32 s8, $0xFFFFF086  }
0x1c: {  	p1 =	slt.u32 s9, $0xF7A;
	s5 =	simm.s32 @!p2 $0x0  }
0x1d: {  	s5 =	simm.s32 @p1 $0x1;
	p0 =	seq.s32 s7, s2  }
0x1e: {  	s7 =	smul.u32 @!p0 $0xF7A, s2;
	p2 =	seq.s32 @!p0 s5, $0x0  }
0x1f: {  	s9 =	smul.u32 $0xF7A, s1;
	s8 =	simm.s32 @!p0 $0x1BF5;
	p2 =	por !p2, p0  }
0x20: {  	[sflag:s8] =	ssyncset.s32 @!p0 $0xFFFFF086;
	s6 =	sadd.s32 @!p0 s3, s7;
	s7 =	simm.s32 @!p0 $0x108  }
0x21: {  	s3 =	sadd.s32 s3, s9;
	s6 =	sadd.s32 @!p0 $0x88, s6;
	s7 =	simm.s32 @p2 $0x1082  }
0x22: {  	[simem:s7], [sflag:s8] =	dma.local @!p0 [hbm:s6], $0xF7A  }
0x23: {  	s9 =	sor.u32 $0xD0000000, s2;
	s6 =	simm.s32 $0x108;
	_ =	swait.ge @!p0 [sflag:s8], $0x0  }
0x24: {  	s3 =	sadd.s32 $0x88, s3;
	s6 =	simm.s32 @!p1 $0x1082;
	[sflag:s4] =	ssyncset.s32 $0xFFFFF086  }
0x25: {  	[simem:s6], [sflag:s4] =	dma.local [hbm:s3], $0xF7A  }
0x26: {  	[smem:$0x3F9D] =	sst s1;
	(tag) =	ssettag s2;
	_ =	strace s9  }
0x27: {  	s1 =	sld [smem:$0x3FAD]  }
0x28: {  	s2 =	sld [smem:$0x3FAE]  }
0x29: {  	s4 =	sld [smem:$0x3FB0]  }
0x2a: {  	p0 =	seq.s32 s5, $0x0;
	s5 =	sld [smem:$0x3FB1]  }
0x2b: {  	s6 =	sld [smem:$0x3FB2]  }
0x2c: {  	s7 =	sld [smem:$0x3FB3]  }
0x2d: {  	s3 =	simm.s32 $0x108;
	s8 =	sld [smem:$0x3FB4]  }
0x2e: {  	s3 =	simm.s32 @!p0 $0x1082;
	s9 =	sld [smem:$0x3FB5]  }
0x2f: {  	lr =	sadd.s32 s0, s3;
	s0 =	sld [smem:$0x3FAC]  }
0x30: {  	s3 =	sld [smem:$0x3FAF]  }
0x31: {  	[smem:$0x3FB8] =	sst s10  }
0x32: {  	s10 =	sld [smem:$0x3FB6];
	_ =	sdelay $0x3  }
0x33: {  	p0 =	seq.s32 s10, $0x1;
	s10 =	sld [smem:$0x3FB8];
	_ =	sdelay $0x3  }
0x34: {  	[smem:$0x3FB8] =	sst s10  }
0x35: {  	s10 =	sld [smem:$0x3FB7];
	_ =	sdelay $0x3  }
0x36: {  	p1 =	seq.s32 s10, $0x1;
	s10 =	sld [smem:$0x3FB8];
	_ =	sdelay $0x3  }
0x37: {  	[smem:$0x3FB8] =	sst s10  }
0x38: {  	s10 =	sld [smem:$0x3FB9]  }
0x39: {  	_ = 	snop;
	(pc) =	sbr.ind lr, $3  }
0x3a: {  	_ = 	snop  }
0x3b: {  	_ = 	snop  }
0x3c: {  	p2 =	seq.s32 s10, $0x1;
	s10 =	sld [smem:$0x3FB8]  }
0x3d: {  	_ =	shalt  }
0x3e: {  	_ =	shalt  }
0x3f: {  	_ =	shalt  }
0x40: {  	_ =	shalt  }
0x41: {  	_ =	shalt  }
0x42: {  	_ =	shalt  }
0x43: {  	_ =	shalt  }
0x44: {  	_ =	shalt  }
0x45: {  	_ =	shalt  }
0x46: {  	_ =	shalt  }
0x47: {  	_ =	shalt  }
0x48: {  	_ =	shalt  }
0x49: {  	_ =	shalt  }
0x4a: {  	_ =	shalt  }
0x4b: {  	_ =	shalt  }
0x4c: {  	_ =	shalt  }
0x4d: {  	_ =	shalt  }
0x4e: {  	_ =	shalt  }
0x4f: {  	_ =	shalt  }
0x50: {  	_ =	shalt  }
0x51: {  	_ =	shalt  }
0x52: {  	_ =	shalt  }
0x53: {  	_ =	shalt  }
0x54: {  	_ =	shalt  }
0x55: {  	_ =	shalt  }
0x56: {  	_ =	shalt  }
0x57: {  	_ =	shalt  }
0x58: {  	_ =	shalt  }
0x59: {  	_ =	shalt  }
0x5a: {  	_ =	shalt  }
0x5b: {  	_ =	shalt  }
0x5c: {  	_ =	shalt  }
0x5d: {  	_ =	shalt  }
0x5e: {  	_ =	shalt  }
0x5f: {  	_ =	shalt  }
0x60: {  	_ =	shalt  }
0x61: {  	_ =	shalt  }
0x62: {  	_ =	shalt  }
0x63: {  	_ =	shalt  }
0x64: {  	_ =	shalt  }
0x65: {  	_ =	shalt  }
0x66: {  	_ =	shalt  }
0x67: {  	_ =	shalt  }
0x68: {  	_ =	shalt  }
0x69: {  	_ =	shalt  }
0x6a: {  	_ =	shalt  }
0x6b: {  	_ =	shalt  }
0x6c: {  	_ =	shalt  }
0x6d: {  	_ =	shalt  }
0x6e: {  	_ =	shalt  }
0x6f: {  	_ =	shalt  }
0x70: {  	_ =	shalt  }
0x71: {  	_ =	shalt  }
0x72: {  	_ =	shalt  }
0x73: {  	_ =	shalt  }
0x74: {  	_ =	shalt  }
0x75: {  	_ =	shalt  }
0x76: {  	_ =	shalt  }
0x77: {  	_ =	shalt  }
0x78: {  	_ =	shalt  }
0x79: {  	_ =	shalt  }
0x7a: {  	_ =	shalt  }
0x7b: {  	_ =	shalt  }
0x7c: {  	_ =	shalt  }
0x7d: {  	_ =	shalt  }
0x7e: {  	_ =	shalt  }
0x7f: {  	_ =	shalt  }
0x80: {  	_ =	shalt  }
0x81: {  	_ =	shalt  }
0x82: {  	_ =	shalt  }
0x83: {  	_ =	shalt  }
0x84: {  	_ =	shalt  }
0x85: {  	_ =	shalt  }
0x86: {  	_ =	shalt  }
0x87: {  	_ =	shalt  }
.Lfunc_end0:
.L_simem_size_0:
called_computation_lowered:
.L_overlay_start_0:
0x88: {  	s2 =	sld [smem:$0x3FD9]  }
0x89: {  	s3 =	sld [smem:$0x3FFE];
	_ =	sdelay $0x1  }
0x8a: {  	s1 =	srdreg.scid  }
0x8b: {  	s0 =	sand.u32 $0x1, s1  }
0x8c: {  	s17 =	sshll.u32 s0, $0xA;
	s2 =	sadd.s32 s3, s2  }
0x8d: {  	s2 =	sadd.s32 s2, s17  }
0x8e: {  	[smem:$0x3FC4] =	sst s2  }
0x8f: {  	_ = 	snop  }
0x90: {  	s2 =	sld [smem:$0x3FD0];
	(tm) =	ssettm $0x1  }
0x91: {  	s18 =	sld [smem:$0x3FFB];
	_ =	sdelay $0x3  }
0x92: {  	_ =	strace s18  }
0x93: {  	s3 =	sld [smem:$0x3FFC];
	_ =	sdelay $0x3  }
0x94: {  	_ =	strace s3  }
0x95: {  	s3 =	sld [smem:$0x3FFD];
	_ =	sdelay $0x3  }
0x96: {  	_ =	strace s3  }
0x97: {  	_ =	strace $0x8FFFFFFF  }
0x98: {  	s19 =	sld [smem:$0x3FDB];
	_ =	sdelay $0x1  }
0x99: {  	s4 =	simm.s32 $_scs_section_size  }
0x9a: {  	s5 =	simm.s32 $_size__tile_overlayer_lowered;
	s6 =	simm.s32 $_tile_overlayer_lowered  }
0x9b: {  	s22 =	simm.s32 $0x1BFF;
	s21 =	sshll.u32 s6, $0x1;
	s3 =	sadd.s32 s4, s19  }
0x9c: {  	s7 =	simm.s32 $0x0;
	s20 =	sshll.u32 s5, $0x1;
	s5 =	sadd.s32 s21, s3  }
0x9d: {  	[timem:s7], [sflag:s22] =	dma.local [hbm:s5], s20  }
0x9e: {  	_ =	swait.ge [sflag:s22], s20  }
0x9f: {  	s4 =	ssub.s32 $0x0, s20;
	[sflag:s22] =	ssyncset.done $0x0  }
0xa0: {  	[sflag:s22] =	ssyncadd.s32 s4;
	_ =	sdelay $0x1  }
0xa1: {  	s23 =	simm.s32 $0x1B8B  }
0xa2: {  	_ =	swait.ge [sflag:s23], $0x1  }
0xa3: {  	[sflag:s23] =	ssyncset.done $0x0  }
0xa4: {  	s25 =	simm.s32 $0x1B8E;
	s24 =	sld [smem:$0x3FFE];
	[sflag:s23] =	ssyncadd.s32 $0xFFFFFFFF  }
0xa5: {  	s26 =	simm.s32 $execute0_lowered;
	[smem:$0x3FD2] =	sst s25  }
0xa6: {  	s5 =	sshll.u32 s26, $0x1;
	_ =	strace $0x80000046;
	[dreg:$0x1] =	wrdreg $0xFFFFFFFF  }
0xa7: {  	s28 =	simm.s32 $_size_execute0_lowered;
	s3 =	sadd.s32 s3, s5;
	[dreg:$0x0] =	wrdreg $0x0  }
0xa8: {  	s5 =	sshll.u32 s28, $0x1;
	[dreg:$0x2] =	wrdreg s3  }
0xa9: {  	[dreg:$0x3] =	wrdreg s5  }
0xaa: {  	[dreg:$0x4] =	wrdreg $0xC0  }
0xab: {  	_ =	task [dreg:s7], $0x5FFFF  }
0xac: {  	[dreg:$0x1] =	wrdreg $0xFFFFFFFF  }
0xad: {  	[dreg:$0x0] =	wrdreg $0x60  }
0xae: {  	[dreg:$0x2] =	wrdreg s24  }
0xaf: {  	[dreg:$0x3] =	wrdreg s2  }
0xb0: {  	[dreg:$0x4] =	wrdreg $0x9  }
0xb1: {  	_ =	task.clear_ibuf [dreg:s7], $0x5FFFF;
	_ =	strace $0x90000046  }
0xb2: {  	s29 =	simm.s32 $0x9;
	_ =	strace $0x80000048  }
0xb3: {  	_ =	swait.ge [sflag:s29], $0x1  }
0xb4: {  	[sflag:s29] =	ssyncadd.s32 $0xFFFFFFFF  }
0xb5: {  	_ =	strace $0x90000048  }
0xb6: {  	_ =	sfence  }
0xb7: {  	s30 =	sld [smem:$0x0];
	_ =	sdelay $0x2  }
0xb8: {  	s31 =	sshll.u32 s1, $0xD;
	s1 =	sshrl.u32 s1, $0x2  }
0xb9: {  	s3 =	sand.u32 $0x4000, s31;
	s1 =	sadd.s32 s1, s30  }
0xba: {  	s0 =	sor.u32 s3, s0;
	s1 =	sshll.u32 s1, $0x11  }
0xbb: {  	s0 =	sor.u32 s1, s0  }
0xbc: {  	s0 =	sadd.s32 $0x8F2B, s0  }
0xbd: {  	[sflag:s0] =	ssyncadd.remote.s32 $0x1  }
0xbe: {  	_ =	sfence.sel $0xFFFF  }
0xbf: {  	[dreg:$0x0] =	wrdreg $0xFFFFFFFF;
	(pc) =	sbr.abs _section_cstart, $3  }
0xc0: {  	[dreg:$0x1] =	wrdreg $0xFFFFFFFF  }
0xc1: {  	_ =	task.clear_ibuf [dreg:s7], $0x2FFFF;
	_ =	strace $0x9FFFFFFF  }
0xc2: {  	(tm) =	ssettm $0x7FFFFFFF  }
0xc3: {  	_ =	shalt  }
tec
execute0_lowered:
.L_overlay_start_1:
0x0: {  	(tag) =	ssettag $0x1  }
0x1: {  	s0 =	rddreg [dreg:$0x0];
	s1 =	srdreg.scid  }
0x2: {  	s2 =	stileid.u32;
	s5 =	rddreg [dreg:$0x1];
	s7 =	simm.s32 $0x9  }
0x3: {  	s8 =	simm.s32 $0x80;
	s10 =	simm.s32 $0x48;
	s9 =	simm.s32 $0xFA00  }
0x4: {  	s11 =	simm.s32 $0x530;
	s12 =	simm.s32 $0x10A00;
	s13 =	simm.s32 $0x578  }
0x5: {  	s14 =	simm.s32 $0x11300;
	s15 =	simm.s32 $0x5F8;
	s16 =	simm.s32 $0x12300  }
0x6: {  	s17 =	simm.s32 $0x1;
	s18 =	simm.s32 $0x2;
	s19 =	simm.s32 $0x3  }
0x7: {  	s20 =	simm.s32 $0x4;
	s21 =	simm.s32 $0x5;
	s22 =	simm.s32 $0x6  }
0x8: {  	s23 =	simm.s32 $0x7;
	s24 =	simm.s32 $0x8;
	s25 =	simm.s32 $0x12C00  }
0x9: {  	s26 =	simm.s32 $0x0;
	s1 =	sand.u32 $0x1, s1;
	s3 =	sshll.u32 s2, $0x1  }
.Ltmp0:
0xa: {  	s2 =	simm.s32 $0x0;
	s6 =	sor.u32 s1, s3;
	(pc) =	sbr.rel .LBB2_1-.Ltmp0, $4  }
0xb: {  	[smem:$0x7FF] =	sst s2;
	s1 =	ssub.s32 $0x2, s1;
	s3 =	smul.u32 $0xC80, s6  }
0xc: {  	_ =	strace $0x80000047;
	s30 =	sshrl.u32 s1, $0x1;
	s31 =	sshll.u32 s6, $0xA  }
0xd: {  	s4 =	sadd.s32 s3, s0;
	s3 =	sadd.s32 $0x19A00, s0;
	s0 =	ssub.s32 s1, s30  }
0xe: {  	s5 =	sadd.s32 s5, s31;
	s4 =	sadd.s32 $0xA00, s4;
	s6 =	smax.u32 s0, $0x1  }
.LBB2_22:
0xf: {  	s26 =	sadd.s32 $0x1, s26  }
0x10: {  	p0 =	sne.s32 s26, s6  }
.Ltmp1:
0x11: {  	_ = 	snop;
	(pc) =	sbr.rel @!p0 .LBB2_23-.Ltmp1, $4  }
0x12: {  	[hbm4b:s5+s2] =	stream.linear.scatter [tilespmem:s25], [sflag:$0x9], $0x2000, $0x38;
	[tilespmem:$0x14C00] =	vst v63  }
0x13: {  	_ =	swait.ge [sflag:s7], $0x2000  }
0x14: {  	[sflag:s7] =	ssyncset.done $0x0  }
0x15: {  	[sflag:s7] =	ssyncadd.s32 $0xFFFFE000  }
.LBB2_1:
0x16: {  	[tilespmem:s2], [sflag:$0x9] =	stream.linear.gather [hbm4b:s4+s2], $0x6400, $0x38;
	[tilespmem:$0x14C00] =	vst v63  }
0x17: {  	_ =	swait.ge [sflag:s7], $0x6400  }
0x18: {  	[sflag:s7] =	ssyncset.done $0x0  }
0x19: {  	s28 =	simm.s32 $0x40;
	[sflag:s7] =	ssyncadd.s32 $0xFFFF9C00  }
0x1a: {  	v0 =	vld [tilespmem:s28+$0x30]  }
0x1b: {  	v2 =	vld [tilespmem:s28+$0xFFFFFFD0]  }
0x1c: {  	v4 =	vld [tilespmem:s28+$0xFFFFFFF0]  }
0x1d: {  	v6 =	vld [tilespmem:s28+$0xFFFFFFC0]  }
0x1e: {  	v3 =	vld [tilespmem:s28+$0xFFFFFFE0]  }
0x1f: {  	v8 =	vld [tilespmem:s28+$0x0]  }
0x20: {  	v1 =	vshll.u32 v0, $0x2  }
0x21: {  	v9 =	vld [tilespmem:s28+$0x10];
	v5 =	vand.u32 $0xFFFF8000, v0;
	v0 =	vshrl.u32 v0, $0xD;
	v7 =	vshll.u32 v2, $0x2  }
0x22: {  	v11 =	vshll.u32 v4, $0x2;
	v19 =	vand.u32 $0xFFFF8000, v2;
	v12 =	vand.u32 $0xFFFF8000, v6  }
0x23: {  	v10 =	vld [tilespmem:s28+$0x20];
	v2 =	vshrl.u32 v2, $0xD;
	v20 =	vand.u32 $0xFFFF8000, v3;
	v21 =	vand.u32 $0xFFFF8000, v4  }
0x24: {  	v22 =	vand.u32 $0xFFFF8000, v8;
	v1 =	vand.u32 $0x7FFC, v1;
	v0 =	vand.u32 $0x3, v0  }
0x25: {  	v14 =	vand.u32 $0x7FFC, v7;
	v17 =	vand.u32 $0x7FFC, v11;
	v7 =	vshrl.u32 v6, $0xD  }
0x26: {  	v11 =	vand.u32 $0xFFFF8000, v9;
	v1 =	vor.u32 v5, v1;
	v5 =	vshll.u32 v3, $0x2  }
0x27: {  	v14 =	vor.u32 v19, v14;
	v15 =	vor.u32 v0, v1;
	v16 =	vand.u32 $0x7FFC, v5  }
0x28: {  	v0 =	vshll.u32 v8, $0x2;
	v1 =	vshll.u32 v10, $0x2;
	v5 =	vshll.u32 v6, $0x2  }
0x29: {  	v6 =	vshrl.u32 v4, $0xD;
	v4 =	vshrl.u32 v9, $0xD;
	v18 =	vand.u32 $0x7FFC, v0  }
0x2a: {  	v0 =	vshll.u32 v9, $0x2;
	v1 =	vand.u32 $0x7FFC, v1;
	v13 =	vand.u32 $0x7FFC, v5  }
0x2b: {  	v5 =	vshrl.u32 v3, $0xD;
	v3 =	vshrl.u32 v8, $0xD;
	v8 =	vshrl.u32 v10, $0xD  }
0x2c: {  	[tilespmem:s28+$0x30] =	vst v15;
	v15 =	vor.u32 v20, v16;
	v0 =	vand.u32 $0x7FFC, v0;
	v13 =	vor.u32 v12, v13  }
0x2d: {  	s0 =	simm.s32 $0x0;
	s1 =	simm.s32 $0xC0;
	v12 =	vand.u32 $0xFFFF8000, v10;
	v10 =	vor.u32 v21, v17;
	v9 =	vor.u32 v22, v18  }
.LBB2_2:
0x2e: {  	v16 =	vld [tilespmem:s1+$0x30];
	s0 =	sadd.s32 $0x8, s0;
	v7 =	vand.u32 $0x3, v7;
	v0 =	vor.u32 v11, v0;
	v1 =	vor.u32 v12, v1  }
0x2f: {  	v2 =	vand.u32 $0x3, v2;
	v5 =	vand.u32 $0x3, v5;
	v6 =	vand.u32 $0x3, v6;
	v11 =	vld [tilespmem:s1+$0xFFFFFFD0];
	p0 =	slt.u32 s0, $0x638  }
0x30: {  	v3 =	vand.u32 $0x3, v3;
	v4 =	vand.u32 $0x3, v4;
	v8 =	vand.u32 $0x3, v8;
	v12 =	vld [tilespmem:s1+$0xFFFFFFE0]  }
0x31: {  	v7 =	vor.u32 v7, v13;
	v2 =	vor.u32 v2, v14;
	v5 =	vor.u32 v5, v15;
	v17 =	vld [tilespmem:s1+$0xFFFFFFF0]  }
0x32: {  	v6 =	vor.u32 v6, v10;
	v3 =	vor.u32 v3, v9;
	v0 =	vor.u32 v4, v0;
	v13 =	vld [tilespmem:s1+$0x0];
	[tilespmem:s28+$0xFFFFFFC0] =	vst v7  }
0x33: {  	v1 =	vor.u32 v8, v1;
	v4 =	vld [tilespmem:s1+$0x10];
	v7 =	vshll.u32 v16, $0x2;
	[tilespmem:s28+$0xFFFFFFD0] =	vst v2  }
0x34: {  	v2 =	vand.u32 $0xFFFF8000, v16;
	v9 =	vshrl.u32 v16, $0xD;
	v8 =	vld [tilespmem:s1+$0x20];
	v7 =	vand.u32 $0x7FFC, v7;
	[tilespmem:s28+$0xFFFFFFE0] =	vst v5  }
0x35: {  	v10 =	vshll.u32 v11, $0x2;
	v5 =	vld [tilespmem:s1+$0xFFFFFFC0];
	v2 =	vor.u32 v2, v7;
	v7 =	vand.u32 $0x3, v9;
	[tilespmem:s28+$0xFFFFFFF0] =	vst v6  }
0x36: {  	v6 =	vshll.u32 v12, $0x2;
	v9 =	vshll.u32 v17, $0x2;
	v2 =	vor.u32 v7, v2;
	[tilespmem:s28+$0x0] =	vst v3  }
0x37: {  	v10 =	vand.u32 $0x7FFC, v10;
	v15 =	vand.u32 $0x7FFC, v6;
	v3 =	vshll.u32 v13, $0x2;
	[tilespmem:s1+$0x30] =	vst v2  }
0x38: {  	v9 =	vand.u32 $0x7FFC, v9;
	v16 =	vand.u32 $0x7FFC, v3;
	v2 =	vshll.u32 v4, $0x2;
	[tilespmem:s28+$0x10] =	vst v0  }
0x39: {  	v14 =	vand.u32 $0xFFFF8000, v11;
	v0 =	vand.u32 $0x7FFC, v2;
	v2 =	vshll.u32 v8, $0x2;
	[tilespmem:s28+$0x20] =	vst v1;
	s28 =	smov.u32 s1  }
0x3a: {  	v18 =	vand.u32 $0xFFFF8000, v5;
	v3 =	vshll.u32 v5, $0x2;
	v1 =	vand.u32 $0x7FFC, v2  }
0x3b: {  	v7 =	vshrl.u32 v5, $0xD;
	v2 =	vshrl.u32 v11, $0xD;
	v19 =	vand.u32 $0x7FFC, v3  }
.Ltmp2:
0x3c: {  	v20 =	vand.u32 $0xFFFF8000, v12;
	v21 =	vand.u32 $0xFFFF8000, v17;
	v5 =	vshrl.u32 v12, $0xD;
	(pc) =	sbr.rel @p0 .LBB2_2-.Ltmp2, $4  }
0x3d: {  	v6 =	vshrl.u32 v17, $0xD;
	v17 =	vand.u32 $0xFFFF8000, v13;
	v3 =	vshrl.u32 v13, $0xD  }
0x3e: {  	v11 =	vand.u32 $0xFFFF8000, v4;
	v4 =	vshrl.u32 v4, $0xD;
	v12 =	vand.u32 $0xFFFF8000, v8  }
0x3f: {  	v14 =	vor.u32 v14, v10;
	v8 =	vshrl.u32 v8, $0xD;
	v13 =	vor.u32 v18, v19  }
0x40: {  	v15 =	vor.u32 v20, v15;
	v10 =	vor.u32 v21, v9;
	v9 =	vor.u32 v17, v16;
	s1 =	sadd.s32 $0x80, s1  }
0x41: {  	v7 =	vand.u32 $0x3, v7  }
0x42: {  	v2 =	vand.u32 $0x3, v2;
	v7 =	vor.u32 v7, v13  }
0x43: {  	v5 =	vand.u32 $0x3, v5;
	v2 =	vor.u32 v2, v14;
	[tilespmem:s28+$0xFFFFFFC0] =	vst v7  }
0x44: {  	v6 =	vand.u32 $0x3, v6;
	v5 =	vor.u32 v5, v15;
	[tilespmem:s28+$0xFFFFFFD0] =	vst v2  }
0x45: {  	v0 =	vor.u32 v11, v0;
	v4 =	vand.u32 $0x3, v4;
	v62 =	vor.u32 v6, v10;
	[tilespmem:s28+$0xFFFFFFE0] =	vst v5  }
0x46: {  	v1 =	vor.u32 v12, v1;
	v63 =	vand.u32 $0x3, v8;
	v0 =	vor.u32 v4, v0;
	[tilespmem:s28+$0xFFFFFFF0] =	vst v62  }
0x47: {  	v61 =	vand.u32 $0x3, v3;
	v1 =	vor.u32 v63, v1;
	[tilespmem:s28+$0x10] =	vst v0  }
0x48: {  	v2 =	vor.u32 v61, v9;
	[tilespmem:s28+$0x20] =	vst v1  }
0x49: {  	s0 =	simm.s32 $0x6400;
	[tilespmem:s28+$0x0] =	vst v2;
	s28 =	simm.s32 $0x0  }
0x4a: {  	[tilespmem:s0], [sflag:$0x1] =	stream.indirect.gather [hbm4b:s3+s8], $0x20, s28, s8, $0xb8;
	[tilespmem:$0x14C00] =	vst v63  }
0x4b: {  	s30 =	simm.s32 $0x7400  }
0x4c: {  	[tilespmem:s30], [sflag:$0x1] =	stream.indirect.gather [hbm4b:s3+s10], $0x20, s8, s10, $0xb8;
	[tilespmem:$0x14C00] =	vst v63  }
0x4d: {  	s31 =	simm.s32 $0xC8;
	s1 =	simm.s32 $0x7D00  }
0x4e: {  	[tilespmem:s1], [sflag:$0x2] =	stream.indirect.gather [hbm4b:s3+s8], $0x20, s31, s8, $0xb8;
	[tilespmem:$0x14C00] =	vst v63  }
0x4f: {  	s29 =	simm.s32 $0x8D00;
	s1 =	simm.s32 $0x148  }
0x50: {  	[tilespmem:s29], [sflag:$0x2] =	stream.indirect.gather [hbm4b:s3+s10], $0x20, s1, s10, $0xb8;
	[tilespmem:$0x14C00] =	vst v63  }
0x51: {  	s30 =	simm.s32 $0x190;
	s31 =	simm.s32 $0x9600  }
0x52: {  	[tilespmem:s31], [sflag:$0x3] =	stream.indirect.gather [hbm4b:s3+s8], $0x20, s30, s8, $0xb8;
	[tilespmem:$0x14C00] =	vst v63  }
0x53: {  	s1 =	simm.s32 $0x210;
	s29 =	simm.s32 $0xA600  }
0x54: {  	[tilespmem:s29], [sflag:$0x3] =	stream.indirect.gather [hbm4b:s3+s10], $0x20, s1, s10, $0xb8;
	[tilespmem:$0x14C00] =	vst v63  }
0x55: {  	s30 =	simm.s32 $0x258;
	s31 =	simm.s32 $0xAF00  }
0x56: {  	[tilespmem:s31], [sflag:$0x4] =	stream.indirect.gather [hbm4b:s3+s8], $0x20, s30, s8, $0xb8;
	[tilespmem:$0x14C00] =	vst v63  }
0x57: {  	s1 =	simm.s32 $0x2D8;
	s29 =	simm.s32 $0xBF00  }
0x58: {  	[tilespmem:s29], [sflag:$0x4] =	stream.indirect.gather [hbm4b:s3+s10], $0x20, s1, s10, $0xb8;
	[tilespmem:$0x14C00] =	vst v63  }
0x59: {  	s30 =	simm.s32 $0x320;
	s31 =	simm.s32 $0xC800  }
0x5a: {  	[tilespmem:s31], [sflag:$0x5] =	stream.indirect.gather [hbm4b:s3+s8], $0x20, s30, s8, $0xb8;
	[tilespmem:$0x14C00] =	vst v63  }
0x5b: {  	s1 =	simm.s32 $0x3A0;
	s29 =	simm.s32 $0xD800  }
0x5c: {  	[tilespmem:s29], [sflag:$0x5] =	stream.indirect.gather [hbm4b:s3+s10], $0x20, s1, s10, $0xb8;
	[tilespmem:$0x14C00] =	vst v63  }
0x5d: {  	s30 =	simm.s32 $0x3E8;
	s31 =	simm.s32 $0xE100  }
0x5e: {  	[tilespmem:s31], [sflag:$0x6] =	stream.indirect.gather [hbm4b:s3+s8], $0x20, s30, s8, $0xb8;
	[tilespmem:$0x14C00] =	vst v63  }
0x5f: {  	s29 =	simm.s32 $0x468;
	s30 =	simm.s32 $0xF100  }
0x60: {  	[tilespmem:s30], [sflag:$0x6] =	stream.indirect.gather [hbm4b:s3+s10], $0x20, s29, s10, $0xb8;
	[tilespmem:$0x14C00] =	vst v63  }
0x61: {  	s31 =	simm.s32 $0x4B0  }
0x62: {  	[tilespmem:s9], [sflag:$0x7] =	stream.indirect.gather [hbm4b:s3+s8], $0x20, s31, s8, $0xb8;
	[tilespmem:$0x14C00] =	vst v63  }
0x63: {  	_ = 	snop  }
0x64: {  	[tilespmem:s12], [sflag:$0x7] =	stream.indirect.gather [hbm4b:s3+s10], $0x20, s11, s10, $0xb8;
	[tilespmem:$0x14C00] =	vst v63  }
0x65: {  	_ = 	snop  }
0x66: {  	[tilespmem:s14], [sflag:$0x8] =	stream.indirect.gather [hbm4b:s3+s8], $0x20, s13, s8, $0xb8;
	[tilespmem:$0x14C00] =	vst v63  }
0x67: {  	_ = 	snop  }
0x68: {  	[tilespmem:s16], [sflag:$0x8] =	stream.indirect.gather [hbm4b:s3+s10], $0x20, s15, s10, $0xb8;
	[tilespmem:$0x14C00] =	vst v63  }
.LBB2_4:
0x69: {  	_ =	swait.ge [sflag:s17], $0x1900  }
0x6a: {  	[sflag:s17] =	ssyncset.done $0x0  }
0x6b: {  	s29 =	simm.s32 $0x6480;
	[sflag:s17] =	ssyncadd.s32 $0xFFFFE700  }
0x6c: {  	v0 =	vld [tilespmem:s29+$0x60]  }
0x6d: {  	v2 =	vld [tilespmem:s29+$0x40]  }
0x6e: {  	v5 =	vld [tilespmem:s29+$0x20]  }
0x6f: {  	v6 =	vld [tilespmem:s29+$0x0]  }
0x70: {  	v8 =	vld [tilespmem:s29+$0xFFFFFFE0]  }
0x71: {  	v10 =	vld [tilespmem:s29+$0xFFFFFFA0]  }
0x72: {  	v11 =	vld [tilespmem:s29+$0xFFFFFF80]  }
0x73: {  	v13 =	vld [tilespmem:s29+$0xFFFFFF90]  }
0x74: {  	v12 =	vimm.f32 $0.0e+00;
	v1 =	vshll.u32 v0, $0x10;
	v0 =	vand.u32 $0xFFFF0000, v0  }
0x75: {  	v9 =	vld [tilespmem:s29+$0xFFFFFFC0];
	v4 =	vshll.u32 v5, $0x10;
	v3 =	vshll.u32 v2, $0x10;
	v2 =	vand.u32 $0xFFFF0000, v2  }
0x76: {  	v14 =	vld [tilespmem:s29+$0xFFFFFFB0];
	v7 =	vshll.u32 v6, $0x10;
	v6 =	vand.u32 $0xFFFF0000, v6;
	v5 =	vand.u32 $0xFFFF0000, v5  }
0x77: {  	v16 =	vshll.u32 v8, $0x10;
	v17 =	vand.u32 $0xFFFF0000, v8;
	v8 =	vshll.u32 v10, $0x10  }
0x78: {  	v18 =	vld [tilespmem:s29+$0xFFFFFFD0];
	v19 =	vshll.u32 v11, $0x10;
	v11 =	vand.u32 $0xFFFF0000, v11;
	v20 =	vshll.u32 v13, $0x10  }
0x79: {  	v13 =	vand.u32 $0xFFFF0000, v13;
	v19 =	vadd.f32 v19, v12;
	v11 =	vadd.f32 v11, v12  }
0x7a: {  	v21 =	vld [tilespmem:s29+$0xFFFFFFF0];
	v10 =	vand.u32 $0xFFFF0000, v10;
	v20 =	vadd.f32 v20, v12;
	v12 =	vadd.f32 v13, v12  }
0x7b: {  	v15 =	vshll.u32 v9, $0x10;
	v11 =	vadd.f32 v10, v11;
	v10 =	vand.u32 $0xFFFF0000, v14  }
0x7c: {  	v13 =	vshll.u32 v14, $0x10;
	v8 =	vadd.f32 v8, v19;
	v14 =	vadd.f32 v10, v12;
	v10 =	vld [tilespmem:s29+$0x10]  }
0x7d: {  	v9 =	vand.u32 $0xFFFF0000, v9;
	v13 =	vadd.f32 v13, v20;
	v12 =	vshll.u32 v18, $0x10  }
0x7e: {  	v19 =	vadd.f32 v15, v8;
	v9 =	vadd.f32 v9, v11;
	v11 =	vand.u32 $0xFFFF0000, v18;
	v8 =	vld [tilespmem:s29+$0x30]  }
0x7f: {  	v12 =	vadd.f32 v12, v13;
	v15 =	vshll.u32 v21, $0x10;
	v11 =	vadd.f32 v11, v14  }
0x80: {  	s30 =	simm.s32 $0x0;
	s1 =	simm.s32 $0x6580;
	v14 =	vadd.f32 v16, v19;
	v13 =	vadd.f32 v17, v9;
	v16 =	vand.u32 $0xFFFF0000, v21;
	v9 =	vld [tilespmem:s29+$0x50]  }
.LBB2_5:
0x81: {  	v17 =	vld [tilespmem:s1+$0x60];
	v12 =	vadd.f32 v15, v12;
	v11 =	vadd.f32 v16, v11;
	v15 =	vshll.u32 v10, $0x10  }
0x82: {  	v10 =	vand.u32 $0xFFFF0000, v10;
	v7 =	vadd.f32 v7, v14;
	v6 =	vadd.f32 v6, v13;
	v13 =	vld [tilespmem:s29+$0x70];
	s29 =	smov.u32 s1  }
0x83: {  	v14 =	vld [tilespmem:s1+$0x40];
	v12 =	vadd.f32 v15, v12;
	v10 =	vadd.f32 v10, v11;
	v11 =	vshll.u32 v8, $0x10  }
0x84: {  	v15 =	vld [tilespmem:s1+$0x20];
	v4 =	vadd.f32 v4, v7;
	v5 =	vadd.f32 v5, v6;
	v6 =	vand.u32 $0xFFFF0000, v8  }
0x85: {  	v8 =	vld [tilespmem:s1+$0x0];
	v7 =	vadd.f32 v11, v12;
	v6 =	vadd.f32 v6, v10;
	v10 =	vshll.u32 v9, $0x10  }
0x86: {  	v11 =	vld [tilespmem:s1+$0xFFFFFFE0];
	v3 =	vadd.f32 v3, v4;
	v2 =	vadd.f32 v2, v5;
	v4 =	vand.u32 $0xFFFF0000, v9  }
0x87: {  	v9 =	vld [tilespmem:s1+$0xFFFFFFC0];
	v5 =	vadd.f32 v10, v7;
	v4 =	vadd.f32 v4, v6;
	v6 =	vshll.u32 v13, $0x10  }
0x88: {  	v10 =	vld [tilespmem:s1+$0xFFFFFFA0];
	v12 =	vadd.f32 v1, v3;
	v16 =	vadd.f32 v0, v2;
	v0 =	vand.u32 $0xFFFF0000, v13  }
0x89: {  	v13 =	vld [tilespmem:s1+$0xFFFFFF80];
	v18 =	vadd.f32 v6, v5;
	v19 =	vadd.f32 v0, v4  }
0x8a: {  	v1 =	vshll.u32 v17, $0x10;
	v0 =	vand.u32 $0xFFFF0000, v17;
	v20 =	vld [tilespmem:s1+$0xFFFFFF90]  }
0x8b: {  	s30 =	sadd.s32 $0x8, s30;
	v3 =	vshll.u32 v14, $0x10;
	v2 =	vand.u32 $0xFFFF0000, v14;
	v4 =	vshll.u32 v15, $0x10  }
0x8c: {  	p0 =	slt.u32 s30, $0xC0;
	v5 =	vand.u32 $0xFFFF0000, v15;
	v7 =	vshll.u32 v8, $0x10;
	v6 =	vand.u32 $0xFFFF0000, v8;
	v14 =	vld [tilespmem:s1+$0xFFFFFFB0]  }
0x8d: {  	v17 =	vshll.u32 v11, $0x10;
	v21 =	vand.u32 $0xFFFF0000, v11;
	v8 =	vshll.u32 v9, $0x10  }
0x8e: {  	v9 =	vand.u32 $0xFFFF0000, v9;
	v11 =	vshll.u32 v10, $0x10;
	v10 =	vand.u32 $0xFFFF0000, v10;
	v15 =	vld [tilespmem:s1+$0xFFFFFFD0]  }
0x8f: {  	v22 =	vshll.u32 v13, $0x10;
	v13 =	vand.u32 $0xFFFF0000, v13;
	v23 =	vshll.u32 v20, $0x10  }
0x90: {  	v12 =	vadd.f32 v22, v12;
	v13 =	vadd.f32 v13, v16;
	v16 =	vand.u32 $0xFFFF0000, v20;
	v20 =	vld [tilespmem:s1+$0xFFFFFFF0]  }
0x91: {  	v18 =	vadd.f32 v23, v18;
	v16 =	vadd.f32 v16, v19;
	v19 =	vshll.u32 v14, $0x10  }
.Ltmp3:
0x92: {  	v11 =	vadd.f32 v11, v12;
	v12 =	vadd.f32 v10, v13;
	v13 =	vand.u32 $0xFFFF0000, v14;
	v10 =	vld [tilespmem:s1+$0x10];
	(pc) =	sbr.rel @p0 .LBB2_5-.Ltmp3, $4  }
0x93: {  	v14 =	vadd.f32 v19, v18;
	v13 =	vadd.f32 v13, v16;
	v16 =	vshll.u32 v15, $0x10  }
0x94: {  	v18 =	vadd.f32 v8, v11;
	v9 =	vadd.f32 v9, v12;
	v11 =	vand.u32 $0xFFFF0000, v15;
	v8 =	vld [tilespmem:s1+$0x30]  }
0x95: {  	v12 =	vadd.f32 v16, v14;
	v11 =	vadd.f32 v11, v13;
	v15 =	vshll.u32 v20, $0x10  }
0x96: {  	s1 =	sadd.s32 $0x100, s1;
	v14 =	vadd.f32 v17, v18;
	v13 =	vadd.f32 v21, v9;
	v16 =	vand.u32 $0xFFFF0000, v20;
	v9 =	vld [tilespmem:s29+$0x50]  }
0x97: {  	_ = 	snop  }
0x98: {  	v12 =	vadd.f32 v15, v12;
	v7 =	vadd.f32 v7, v14  }
0x99: {  	v11 =	vadd.f32 v16, v11;
	v14 =	vshll.u32 v10, $0x10;
	v6 =	vadd.f32 v6, v13  }
0x9a: {  	v10 =	vand.u32 $0xFFFF0000, v10;
	v13 =	vld [tilespmem:s29+$0x70];
	v12 =	vadd.f32 v14, v12;
	v4 =	vadd.f32 v4, v7  }
0x9b: {  	v7 =	vadd.f32 v10, v11;
	v10 =	vshll.u32 v8, $0x10;
	v5 =	vadd.f32 v5, v6  }
0x9c: {  	v6 =	vand.u32 $0xFFFF0000, v8;
	v8 =	vadd.f32 v10, v12;
	v3 =	vadd.f32 v3, v4  }
0x9d: {  	v4 =	vadd.f32 v6, v7;
	v6 =	vshll.u32 v9, $0x10;
	v2 =	vadd.f32 v2, v5  }
0x9e: {  	v5 =	vand.u32 $0xFFFF0000, v9;
	v6 =	vadd.f32 v6, v8;
	v1 =	vadd.f32 v1, v3  }
0x9f: {  	v3 =	vadd.f32 v5, v4;
	v4 =	vshll.u32 v13, $0x10;
	v0 =	vadd.f32 v0, v2  }
0xa0: {  	s0 =	sshll.u32 s28, $0x9;
	v2 =	vand.u32 $0xFFFF0000, v13;
	v4 =	vadd.f32 v4, v6;
	v1 =	vmul.f32 $4.999999890e-03, v1  }
0xa1: {  	p0 =	seq.s32 s28, $0xF;
	s29 =	sand.u32 $0x3FFFFE00, s0;
	v2 =	vadd.f32 v2, v3;
	v0 =	vmul.f32 $4.999999890e-03, v0  }
0xa2: {  	s0 =	smul.u32 @!p0 $0x1900, s28;
	[tilespmem:s29+$0x12C00] =	vst v1;
	v1 =	vmul.f32 $4.999999890e-03, v4  }
0xa3: {  	[tilespmem:s29+$0x12C10] =	vst v0;
	v0 =	vmul.f32 $4.999999890e-03, v2  }
0xa4: {  	s30 =	sshra.s32 @!p0 s0, $0x2;
	[tilespmem:s29+$0x12C20] =	vst v1  }
0xa5: {  	s1 =	simm.s32 @!p0 $0x80;
	s31 =	simm.s32 @!p0 $0x6400;
	s0 =	sadd.s32 @!p0 $0x640, s30;
	[tilespmem:s29+$0x12C30] =	vst v0  }
0xa6: {  	[tilespmem:s31], [sflag:$0x1] =	stream.indirect.gather @!p0 [hbm4b:s3+s1], $0x20, s0, s1, $0xb8;
	[tilespmem:$0x14C00] =	vst v63  }
0xa7: {  	s0 =	sadd.s32 @!p0 $0x6C0, s30;
	s1 =	simm.s32 @!p0 $0x48;
	s31 =	simm.s32 @!p0 $0x7400  }
0xa8: {  	[tilespmem:s31], [sflag:$0x1] =	stream.indirect.gather @!p0 [hbm4b:s3+s1], $0x20, s0, s1, $0xb8;
	[tilespmem:$0x14C00] =	vst v63  }
0xa9: {  	_ =	swait.ge [sflag:s18], $0x1900  }
0xaa: {  	[sflag:s18] =	ssyncset.done $0x0  }
0xab: {  	s31 =	simm.s32 $0x7D80;
	[sflag:s18] =	ssyncadd.s32 $0xFFFFE700  }
0xac: {  	v0 =	vld [tilespmem:s31+$0x60]  }
0xad: {  	v2 =	vld [tilespmem:s31+$0x40]  }
0xae: {  	v5 =	vld [tilespmem:s31+$0x20]  }
0xaf: {  	v6 =	vld [tilespmem:s31+$0x0]  }
0xb0: {  	v8 =	vld [tilespmem:s31+$0xFFFFFFE0]  }
0xb1: {  	v10 =	vld [tilespmem:s31+$0xFFFFFFA0]  }
0xb2: {  	v11 =	vld [tilespmem:s31+$0xFFFFFF80]  }
0xb3: {  	v13 =	vld [tilespmem:s31+$0xFFFFFF90]  }
0xb4: {  	v12 =	vimm.f32 $0.0e+00;
	v1 =	vshll.u32 v0, $0x10;
	v0 =	vand.u32 $0xFFFF0000, v0  }
0xb5: {  	v9 =	vld [tilespmem:s31+$0xFFFFFFC0];
	v4 =	vshll.u32 v5, $0x10;
	v3 =	vshll.u32 v2, $0x10;
	v2 =	vand.u32 $0xFFFF0000, v2  }
0xb6: {  	v14 =	vld [tilespmem:s31+$0xFFFFFFB0];
	v7 =	vshll.u32 v6, $0x10;
	v6 =	vand.u32 $0xFFFF0000, v6;
	v5 =	vand.u32 $0xFFFF0000, v5  }
0xb7: {  	v16 =	vshll.u32 v8, $0x10;
	v17 =	vand.u32 $0xFFFF0000, v8;
	v8 =	vshll.u32 v10, $0x10  }
0xb8: {  	v18 =	vld [tilespmem:s31+$0xFFFFFFD0];
	v19 =	vshll.u32 v11, $0x10;
	v11 =	vand.u32 $0xFFFF0000, v11;
	v20 =	vshll.u32 v13, $0x10  }
0xb9: {  	v13 =	vand.u32 $0xFFFF0000, v13;
	v19 =	vadd.f32 v19, v12;
	v11 =	vadd.f32 v11, v12  }
0xba: {  	v21 =	vld [tilespmem:s31+$0xFFFFFFF0];
	v10 =	vand.u32 $0xFFFF0000, v10;
	v20 =	vadd.f32 v20, v12;
	v12 =	vadd.f32 v13, v12  }
0xbb: {  	v15 =	vshll.u32 v9, $0x10;
	v11 =	vadd.f32 v10, v11;
	v10 =	vand.u32 $0xFFFF0000, v14  }
0xbc: {  	v13 =	vshll.u32 v14, $0x10;
	v8 =	vadd.f32 v8, v19;
	v14 =	vadd.f32 v10, v12;
	v10 =	vld [tilespmem:s31+$0x10]  }
0xbd: {  	v9 =	vand.u32 $0xFFFF0000, v9;
	v13 =	vadd.f32 v13, v20;
	v12 =	vshll.u32 v18, $0x10  }
0xbe: {  	v19 =	vadd.f32 v15, v8;
	v9 =	vadd.f32 v9, v11;
	v11 =	vand.u32 $0xFFFF0000, v18;
	v8 =	vld [tilespmem:s31+$0x30]  }
0xbf: {  	v12 =	vadd.f32 v12, v13;
	v15 =	vshll.u32 v21, $0x10;
	v11 =	vadd.f32 v11, v14  }
0xc0: {  	s1 =	simm.s32 $0x0;
	s0 =	simm.s32 $0x7E80;
	v14 =	vadd.f32 v16, v19;
	v13 =	vadd.f32 v17, v9;
	v16 =	vand.u32 $0xFFFF0000, v21;
	v9 =	vld [tilespmem:s31+$0x50]  }
.LBB2_7:
0xc1: {  	v17 =	vld [tilespmem:s0+$0x60];
	v12 =	vadd.f32 v15, v12;
	v11 =	vadd.f32 v16, v11;
	v15 =	vshll.u32 v10, $0x10  }
0xc2: {  	v10 =	vand.u32 $0xFFFF0000, v10;
	v7 =	vadd.f32 v7, v14;
	v6 =	vadd.f32 v6, v13;
	v13 =	vld [tilespmem:s31+$0x70];
	s31 =	smov.u32 s0  }
0xc3: {  	v14 =	vld [tilespmem:s0+$0x40];
	v12 =	vadd.f32 v15, v12;
	v10 =	vadd.f32 v10, v11;
	v11 =	vshll.u32 v8, $0x10  }
0xc4: {  	v15 =	vld [tilespmem:s0+$0x20];
	v4 =	vadd.f32 v4, v7;
	v5 =	vadd.f32 v5, v6;
	v6 =	vand.u32 $0xFFFF0000, v8  }
0xc5: {  	v8 =	vld [tilespmem:s0+$0x0];
	v7 =	vadd.f32 v11, v12;
	v6 =	vadd.f32 v6, v10;
	v10 =	vshll.u32 v9, $0x10  }
0xc6: {  	v11 =	vld [tilespmem:s0+$0xFFFFFFE0];
	v3 =	vadd.f32 v3, v4;
	v2 =	vadd.f32 v2, v5;
	v4 =	vand.u32 $0xFFFF0000, v9  }
0xc7: {  	v9 =	vld [tilespmem:s0+$0xFFFFFFC0];
	v5 =	vadd.f32 v10, v7;
	v4 =	vadd.f32 v4, v6;
	v6 =	vshll.u32 v13, $0x10  }
0xc8: {  	v10 =	vld [tilespmem:s0+$0xFFFFFFA0];
	v12 =	vadd.f32 v1, v3;
	v16 =	vadd.f32 v0, v2;
	v0 =	vand.u32 $0xFFFF0000, v13  }
0xc9: {  	v13 =	vld [tilespmem:s0+$0xFFFFFF80];
	v18 =	vadd.f32 v6, v5;
	v19 =	vadd.f32 v0, v4  }
0xca: {  	v1 =	vshll.u32 v17, $0x10;
	v0 =	vand.u32 $0xFFFF0000, v17;
	v20 =	vld [tilespmem:s0+$0xFFFFFF90]  }
0xcb: {  	s1 =	sadd.s32 $0x8, s1;
	v3 =	vshll.u32 v14, $0x10;
	v2 =	vand.u32 $0xFFFF0000, v14;
	v4 =	vshll.u32 v15, $0x10  }
0xcc: {  	p1 =	slt.u32 s1, $0xC0;
	v5 =	vand.u32 $0xFFFF0000, v15;
	v7 =	vshll.u32 v8, $0x10;
	v6 =	vand.u32 $0xFFFF0000, v8;
	v14 =	vld [tilespmem:s0+$0xFFFFFFB0]  }
0xcd: {  	v17 =	vshll.u32 v11, $0x10;
	v21 =	vand.u32 $0xFFFF0000, v11;
	v8 =	vshll.u32 v9, $0x10  }
0xce: {  	v9 =	vand.u32 $0xFFFF0000, v9;
	v11 =	vshll.u32 v10, $0x10;
	v10 =	vand.u32 $0xFFFF0000, v10;
	v15 =	vld [tilespmem:s0+$0xFFFFFFD0]  }
0xcf: {  	v22 =	vshll.u32 v13, $0x10;
	v13 =	vand.u32 $0xFFFF0000, v13;
	v23 =	vshll.u32 v20, $0x10  }
0xd0: {  	v12 =	vadd.f32 v22, v12;
	v13 =	vadd.f32 v13, v16;
	v16 =	vand.u32 $0xFFFF0000, v20;
	v20 =	vld [tilespmem:s0+$0xFFFFFFF0]  }
0xd1: {  	v18 =	vadd.f32 v23, v18;
	v16 =	vadd.f32 v16, v19;
	v19 =	vshll.u32 v14, $0x10  }
.Ltmp4:
0xd2: {  	v11 =	vadd.f32 v11, v12;
	v12 =	vadd.f32 v10, v13;
	v13 =	vand.u32 $0xFFFF0000, v14;
	v10 =	vld [tilespmem:s0+$0x10];
	(pc) =	sbr.rel @p1 .LBB2_7-.Ltmp4, $4  }
0xd3: {  	v14 =	vadd.f32 v19, v18;
	v13 =	vadd.f32 v13, v16;
	v16 =	vshll.u32 v15, $0x10  }
0xd4: {  	v18 =	vadd.f32 v8, v11;
	v9 =	vadd.f32 v9, v12;
	v11 =	vand.u32 $0xFFFF0000, v15;
	v8 =	vld [tilespmem:s0+$0x30]  }
0xd5: {  	v12 =	vadd.f32 v16, v14;
	v11 =	vadd.f32 v11, v13;
	v15 =	vshll.u32 v20, $0x10  }
0xd6: {  	s0 =	sadd.s32 $0x100, s0;
	v14 =	vadd.f32 v17, v18;
	v13 =	vadd.f32 v21, v9;
	v16 =	vand.u32 $0xFFFF0000, v20;
	v9 =	vld [tilespmem:s31+$0x50]  }
0xd7: {  	_ = 	snop  }
0xd8: {  	v12 =	vadd.f32 v15, v12;
	v7 =	vadd.f32 v7, v14  }
0xd9: {  	v11 =	vadd.f32 v16, v11;
	v14 =	vshll.u32 v10, $0x10;
	v6 =	vadd.f32 v6, v13  }
0xda: {  	v10 =	vand.u32 $0xFFFF0000, v10;
	v13 =	vld [tilespmem:s31+$0x70];
	v12 =	vadd.f32 v14, v12;
	v4 =	vadd.f32 v4, v7  }
0xdb: {  	v7 =	vadd.f32 v10, v11;
	v10 =	vshll.u32 v8, $0x10;
	v5 =	vadd.f32 v5, v6  }
0xdc: {  	v6 =	vand.u32 $0xFFFF0000, v8;
	v8 =	vadd.f32 v10, v12;
	v3 =	vadd.f32 v3, v4  }
0xdd: {  	v4 =	vadd.f32 v6, v7;
	v6 =	vshll.u32 v9, $0x10;
	v2 =	vadd.f32 v2, v5  }
0xde: {  	v5 =	vand.u32 $0xFFFF0000, v9;
	v6 =	vadd.f32 v6, v8;
	v1 =	vadd.f32 v1, v3  }
0xdf: {  	v3 =	vadd.f32 v5, v4;
	v4 =	vshll.u32 v13, $0x10;
	v0 =	vadd.f32 v0, v2  }
0xe0: {  	v2 =	vand.u32 $0xFFFF0000, v13;
	v4 =	vadd.f32 v4, v6;
	v1 =	vmul.f32 $4.999999890e-03, v1  }
0xe1: {  	v2 =	vadd.f32 v2, v3;
	v0 =	vmul.f32 $4.999999890e-03, v0  }
0xe2: {  	[tilespmem:s29+$0x12C40] =	vst v1;
	v1 =	vmul.f32 $4.999999890e-03, v4  }
0xe3: {  	[tilespmem:s29+$0x12C50] =	vst v0;
	v0 =	vmul.f32 $4.999999890e-03, v2  }
0xe4: {  	[tilespmem:s29+$0x12C60] =	vst v1  }
0xe5: {  	s0 =	sadd.s32 @!p0 $0x708, s30;
	s1 =	simm.s32 @!p0 $0x80;
	s31 =	simm.s32 @!p0 $0x7D00;
	[tilespmem:s29+$0x12C70] =	vst v0  }
0xe6: {  	[tilespmem:s31], [sflag:$0x2] =	stream.indirect.gather @!p0 [hbm4b:s3+s1], $0x20, s0, s1, $0xb8;
	[tilespmem:$0x14C00] =	vst v63  }
0xe7: {  	s0 =	sadd.s32 @!p0 $0x788, s30;
	s1 =	simm.s32 @!p0 $0x48;
	s31 =	simm.s32 @!p0 $0x8D00  }
0xe8: {  	[tilespmem:s31], [sflag:$0x2] =	stream.indirect.gather @!p0 [hbm4b:s3+s1], $0x20, s0, s1, $0xb8;
	[tilespmem:$0x14C00] =	vst v63  }
0xe9: {  	_ =	swait.ge [sflag:s19], $0x1900  }
0xea: {  	[sflag:s19] =	ssyncset.done $0x0  }
0xeb: {  	s31 =	simm.s32 $0x9680;
	[sflag:s19] =	ssyncadd.s32 $0xFFFFE700  }
0xec: {  	v0 =	vld [tilespmem:s31+$0x60]  }
0xed: {  	v2 =	vld [tilespmem:s31+$0x40]  }
0xee: {  	v5 =	vld [tilespmem:s31+$0x20]  }
0xef: {  	v6 =	vld [tilespmem:s31+$0x0]  }
0xf0: {  	v8 =	vld [tilespmem:s31+$0xFFFFFFE0]  }
0xf1: {  	v10 =	vld [tilespmem:s31+$0xFFFFFFA0]  }
0xf2: {  	v11 =	vld [tilespmem:s31+$0xFFFFFF80]  }
0xf3: {  	v13 =	vld [tilespmem:s31+$0xFFFFFF90]  }
0xf4: {  	v12 =	vimm.f32 $0.0e+00;
	v1 =	vshll.u32 v0, $0x10;
	v0 =	vand.u32 $0xFFFF0000, v0  }
0xf5: {  	v9 =	vld [tilespmem:s31+$0xFFFFFFC0];
	v4 =	vshll.u32 v5, $0x10;
	v3 =	vshll.u32 v2, $0x10;
	v2 =	vand.u32 $0xFFFF0000, v2  }
0xf6: {  	v14 =	vld [tilespmem:s31+$0xFFFFFFB0];
	v7 =	vshll.u32 v6, $0x10;
	v6 =	vand.u32 $0xFFFF0000, v6;
	v5 =	vand.u32 $0xFFFF0000, v5  }
0xf7: {  	v16 =	vshll.u32 v8, $0x10;
	v17 =	vand.u32 $0xFFFF0000, v8;
	v8 =	vshll.u32 v10, $0x10  }
0xf8: {  	v18 =	vld [tilespmem:s31+$0xFFFFFFD0];
	v19 =	vshll.u32 v11, $0x10;
	v11 =	vand.u32 $0xFFFF0000, v11;
	v20 =	vshll.u32 v13, $0x10  }
0xf9: {  	v13 =	vand.u32 $0xFFFF0000, v13;
	v19 =	vadd.f32 v19, v12;
	v11 =	vadd.f32 v11, v12  }
0xfa: {  	v21 =	vld [tilespmem:s31+$0xFFFFFFF0];
	v10 =	vand.u32 $0xFFFF0000, v10;
	v20 =	vadd.f32 v20, v12;
	v12 =	vadd.f32 v13, v12  }
0xfb: {  	v15 =	vshll.u32 v9, $0x10;
	v11 =	vadd.f32 v10, v11;
	v10 =	vand.u32 $0xFFFF0000, v14  }
0xfc: {  	v13 =	vshll.u32 v14, $0x10;
	v8 =	vadd.f32 v8, v19;
	v14 =	vadd.f32 v10, v12;
	v10 =	vld [tilespmem:s31+$0x10]  }
0xfd: {  	v9 =	vand.u32 $0xFFFF0000, v9;
	v13 =	vadd.f32 v13, v20;
	v12 =	vshll.u32 v18, $0x10  }
0xfe: {  	v19 =	vadd.f32 v15, v8;
	v9 =	vadd.f32 v9, v11;
	v11 =	vand.u32 $0xFFFF0000, v18;
	v8 =	vld [tilespmem:s31+$0x30]  }
0xff: {  	v12 =	vadd.f32 v12, v13;
	v15 =	vshll.u32 v21, $0x10;
	v11 =	vadd.f32 v11, v14  }
0x100: {  	s1 =	simm.s32 $0x0;
	s0 =	simm.s32 $0x9780;
	v14 =	vadd.f32 v16, v19;
	v13 =	vadd.f32 v17, v9;
	v16 =	vand.u32 $0xFFFF0000, v21;
	v9 =	vld [tilespmem:s31+$0x50]  }
.LBB2_9:
0x101: {  	v17 =	vld [tilespmem:s0+$0x60];
	v12 =	vadd.f32 v15, v12;
	v11 =	vadd.f32 v16, v11;
	v15 =	vshll.u32 v10, $0x10  }
0x102: {  	v10 =	vand.u32 $0xFFFF0000, v10;
	v7 =	vadd.f32 v7, v14;
	v6 =	vadd.f32 v6, v13;
	v13 =	vld [tilespmem:s31+$0x70];
	s31 =	smov.u32 s0  }
0x103: {  	v14 =	vld [tilespmem:s0+$0x40];
	v12 =	vadd.f32 v15, v12;
	v10 =	vadd.f32 v10, v11;
	v11 =	vshll.u32 v8, $0x10  }
0x104: {  	v15 =	vld [tilespmem:s0+$0x20];
	v4 =	vadd.f32 v4, v7;
	v5 =	vadd.f32 v5, v6;
	v6 =	vand.u32 $0xFFFF0000, v8  }
0x105: {  	v8 =	vld [tilespmem:s0+$0x0];
	v7 =	vadd.f32 v11, v12;
	v6 =	vadd.f32 v6, v10;
	v10 =	vshll.u32 v9, $0x10  }
0x106: {  	v11 =	vld [tilespmem:s0+$0xFFFFFFE0];
	v3 =	vadd.f32 v3, v4;
	v2 =	vadd.f32 v2, v5;
	v4 =	vand.u32 $0xFFFF0000, v9  }
0x107: {  	v9 =	vld [tilespmem:s0+$0xFFFFFFC0];
	v5 =	vadd.f32 v10, v7;
	v4 =	vadd.f32 v4, v6;
	v6 =	vshll.u32 v13, $0x10  }
0x108: {  	v10 =	vld [tilespmem:s0+$0xFFFFFFA0];
	v12 =	vadd.f32 v1, v3;
	v16 =	vadd.f32 v0, v2;
	v0 =	vand.u32 $0xFFFF0000, v13  }
0x109: {  	v13 =	vld [tilespmem:s0+$0xFFFFFF80];
	v18 =	vadd.f32 v6, v5;
	v19 =	vadd.f32 v0, v4  }
0x10a: {  	v1 =	vshll.u32 v17, $0x10;
	v0 =	vand.u32 $0xFFFF0000, v17;
	v20 =	vld [tilespmem:s0+$0xFFFFFF90]  }
0x10b: {  	s1 =	sadd.s32 $0x8, s1;
	v3 =	vshll.u32 v14, $0x10;
	v2 =	vand.u32 $0xFFFF0000, v14;
	v4 =	vshll.u32 v15, $0x10  }
0x10c: {  	p1 =	slt.u32 s1, $0xC0;
	v5 =	vand.u32 $0xFFFF0000, v15;
	v7 =	vshll.u32 v8, $0x10;
	v6 =	vand.u32 $0xFFFF0000, v8;
	v14 =	vld [tilespmem:s0+$0xFFFFFFB0]  }
0x10d: {  	v17 =	vshll.u32 v11, $0x10;
	v21 =	vand.u32 $0xFFFF0000, v11;
	v8 =	vshll.u32 v9, $0x10  }
0x10e: {  	v9 =	vand.u32 $0xFFFF0000, v9;
	v11 =	vshll.u32 v10, $0x10;
	v10 =	vand.u32 $0xFFFF0000, v10;
	v15 =	vld [tilespmem:s0+$0xFFFFFFD0]  }
0x10f: {  	v22 =	vshll.u32 v13, $0x10;
	v13 =	vand.u32 $0xFFFF0000, v13;
	v23 =	vshll.u32 v20, $0x10  }
0x110: {  	v12 =	vadd.f32 v22, v12;
	v13 =	vadd.f32 v13, v16;
	v16 =	vand.u32 $0xFFFF0000, v20;
	v20 =	vld [tilespmem:s0+$0xFFFFFFF0]  }
0x111: {  	v18 =	vadd.f32 v23, v18;
	v16 =	vadd.f32 v16, v19;
	v19 =	vshll.u32 v14, $0x10  }
.Ltmp5:
0x112: {  	v11 =	vadd.f32 v11, v12;
	v12 =	vadd.f32 v10, v13;
	v13 =	vand.u32 $0xFFFF0000, v14;
	v10 =	vld [tilespmem:s0+$0x10];
	(pc) =	sbr.rel @p1 .LBB2_9-.Ltmp5, $4  }
0x113: {  	v14 =	vadd.f32 v19, v18;
	v13 =	vadd.f32 v13, v16;
	v16 =	vshll.u32 v15, $0x10  }
0x114: {  	v18 =	vadd.f32 v8, v11;
	v9 =	vadd.f32 v9, v12;
	v11 =	vand.u32 $0xFFFF0000, v15;
	v8 =	vld [tilespmem:s0+$0x30]  }
0x115: {  	v12 =	vadd.f32 v16, v14;
	v11 =	vadd.f32 v11, v13;
	v15 =	vshll.u32 v20, $0x10  }
0x116: {  	s0 =	sadd.s32 $0x100, s0;
	v14 =	vadd.f32 v17, v18;
	v13 =	vadd.f32 v21, v9;
	v16 =	vand.u32 $0xFFFF0000, v20;
	v9 =	vld [tilespmem:s31+$0x50]  }
0x117: {  	_ = 	snop  }
0x118: {  	v12 =	vadd.f32 v15, v12;
	v7 =	vadd.f32 v7, v14  }
0x119: {  	v11 =	vadd.f32 v16, v11;
	v14 =	vshll.u32 v10, $0x10;
	v6 =	vadd.f32 v6, v13  }
0x11a: {  	v10 =	vand.u32 $0xFFFF0000, v10;
	v13 =	vld [tilespmem:s31+$0x70];
	v12 =	vadd.f32 v14, v12;
	v4 =	vadd.f32 v4, v7  }
0x11b: {  	v7 =	vadd.f32 v10, v11;
	v10 =	vshll.u32 v8, $0x10;
	v5 =	vadd.f32 v5, v6  }
0x11c: {  	v6 =	vand.u32 $0xFFFF0000, v8;
	v8 =	vadd.f32 v10, v12;
	v3 =	vadd.f32 v3, v4  }
0x11d: {  	v4 =	vadd.f32 v6, v7;
	v6 =	vshll.u32 v9, $0x10;
	v2 =	vadd.f32 v2, v5  }
0x11e: {  	v5 =	vand.u32 $0xFFFF0000, v9;
	v6 =	vadd.f32 v6, v8;
	v1 =	vadd.f32 v1, v3  }
0x11f: {  	v3 =	vadd.f32 v5, v4;
	v4 =	vshll.u32 v13, $0x10;
	v0 =	vadd.f32 v0, v2  }
0x120: {  	v2 =	vand.u32 $0xFFFF0000, v13;
	v4 =	vadd.f32 v4, v6;
	v1 =	vmul.f32 $4.999999890e-03, v1  }
0x121: {  	v2 =	vadd.f32 v2, v3;
	v0 =	vmul.f32 $4.999999890e-03, v0  }
0x122: {  	[tilespmem:s29+$0x12C80] =	vst v1;
	v1 =	vmul.f32 $4.999999890e-03, v4  }
0x123: {  	[tilespmem:s29+$0x12C90] =	vst v0;
	v0 =	vmul.f32 $4.999999890e-03, v2  }
0x124: {  	[tilespmem:s29+$0x12CA0] =	vst v1  }
0x125: {  	s0 =	sadd.s32 @!p0 $0x7D0, s30;
	s1 =	simm.s32 @!p0 $0x80;
	s31 =	simm.s32 @!p0 $0x9600;
	[tilespmem:s29+$0x12CB0] =	vst v0  }
0x126: {  	[tilespmem:s31], [sflag:$0x3] =	stream.indirect.gather @!p0 [hbm4b:s3+s1], $0x20, s0, s1, $0xb8;
	[tilespmem:$0x14C00] =	vst v63  }
0x127: {  	s0 =	sadd.s32 @!p0 $0x850, s30;
	s1 =	simm.s32 @!p0 $0x48;
	s31 =	simm.s32 @!p0 $0xA600  }
0x128: {  	[tilespmem:s31], [sflag:$0x3] =	stream.indirect.gather @!p0 [hbm4b:s3+s1], $0x20, s0, s1, $0xb8;
	[tilespmem:$0x14C00] =	vst v63  }
0x129: {  	_ =	swait.ge [sflag:s20], $0x1900  }
0x12a: {  	[sflag:s20] =	ssyncset.done $0x0  }
0x12b: {  	s31 =	simm.s32 $0xAF80;
	[sflag:s20] =	ssyncadd.s32 $0xFFFFE700  }
0x12c: {  	v0 =	vld [tilespmem:s31+$0x60]  }
0x12d: {  	v2 =	vld [tilespmem:s31+$0x40]  }
0x12e: {  	v5 =	vld [tilespmem:s31+$0x20]  }
0x12f: {  	v6 =	vld [tilespmem:s31+$0x0]  }
0x130: {  	v8 =	vld [tilespmem:s31+$0xFFFFFFE0]  }
0x131: {  	v10 =	vld [tilespmem:s31+$0xFFFFFFA0]  }
0x132: {  	v11 =	vld [tilespmem:s31+$0xFFFFFF80]  }
0x133: {  	v13 =	vld [tilespmem:s31+$0xFFFFFF90]  }
0x134: {  	v12 =	vimm.f32 $0.0e+00;
	v1 =	vshll.u32 v0, $0x10;
	v0 =	vand.u32 $0xFFFF0000, v0  }
0x135: {  	v9 =	vld [tilespmem:s31+$0xFFFFFFC0];
	v4 =	vshll.u32 v5, $0x10;
	v3 =	vshll.u32 v2, $0x10;
	v2 =	vand.u32 $0xFFFF0000, v2  }
0x136: {  	v14 =	vld [tilespmem:s31+$0xFFFFFFB0];
	v7 =	vshll.u32 v6, $0x10;
	v6 =	vand.u32 $0xFFFF0000, v6;
	v5 =	vand.u32 $0xFFFF0000, v5  }
0x137: {  	v16 =	vshll.u32 v8, $0x10;
	v17 =	vand.u32 $0xFFFF0000, v8;
	v8 =	vshll.u32 v10, $0x10  }
0x138: {  	v18 =	vld [tilespmem:s31+$0xFFFFFFD0];
	v19 =	vshll.u32 v11, $0x10;
	v11 =	vand.u32 $0xFFFF0000, v11;
	v20 =	vshll.u32 v13, $0x10  }
0x139: {  	v13 =	vand.u32 $0xFFFF0000, v13;
	v19 =	vadd.f32 v19, v12;
	v11 =	vadd.f32 v11, v12  }
0x13a: {  	v21 =	vld [tilespmem:s31+$0xFFFFFFF0];
	v10 =	vand.u32 $0xFFFF0000, v10;
	v20 =	vadd.f32 v20, v12;
	v12 =	vadd.f32 v13, v12  }
0x13b: {  	v15 =	vshll.u32 v9, $0x10;
	v11 =	vadd.f32 v10, v11;
	v10 =	vand.u32 $0xFFFF0000, v14  }
0x13c: {  	v13 =	vshll.u32 v14, $0x10;
	v8 =	vadd.f32 v8, v19;
	v14 =	vadd.f32 v10, v12;
	v10 =	vld [tilespmem:s31+$0x10]  }
0x13d: {  	v9 =	vand.u32 $0xFFFF0000, v9;
	v13 =	vadd.f32 v13, v20;
	v12 =	vshll.u32 v18, $0x10  }
0x13e: {  	v19 =	vadd.f32 v15, v8;
	v9 =	vadd.f32 v9, v11;
	v11 =	vand.u32 $0xFFFF0000, v18;
	v8 =	vld [tilespmem:s31+$0x30]  }
0x13f: {  	v12 =	vadd.f32 v12, v13;
	v15 =	vshll.u32 v21, $0x10;
	v11 =	vadd.f32 v11, v14  }
0x140: {  	s1 =	simm.s32 $0x0;
	s0 =	simm.s32 $0xB080;
	v14 =	vadd.f32 v16, v19;
	v13 =	vadd.f32 v17, v9;
	v16 =	vand.u32 $0xFFFF0000, v21;
	v9 =	vld [tilespmem:s31+$0x50]  }
.LBB2_11:
0x141: {  	v17 =	vld [tilespmem:s0+$0x60];
	v12 =	vadd.f32 v15, v12;
	v11 =	vadd.f32 v16, v11;
	v15 =	vshll.u32 v10, $0x10  }
0x142: {  	v10 =	vand.u32 $0xFFFF0000, v10;
	v7 =	vadd.f32 v7, v14;
	v6 =	vadd.f32 v6, v13;
	v13 =	vld [tilespmem:s31+$0x70];
	s31 =	smov.u32 s0  }
0x143: {  	v14 =	vld [tilespmem:s0+$0x40];
	v12 =	vadd.f32 v15, v12;
	v10 =	vadd.f32 v10, v11;
	v11 =	vshll.u32 v8, $0x10  }
0x144: {  	v15 =	vld [tilespmem:s0+$0x20];
	v4 =	vadd.f32 v4, v7;
	v5 =	vadd.f32 v5, v6;
	v6 =	vand.u32 $0xFFFF0000, v8  }
0x145: {  	v8 =	vld [tilespmem:s0+$0x0];
	v7 =	vadd.f32 v11, v12;
	v6 =	vadd.f32 v6, v10;
	v10 =	vshll.u32 v9, $0x10  }
0x146: {  	v11 =	vld [tilespmem:s0+$0xFFFFFFE0];
	v3 =	vadd.f32 v3, v4;
	v2 =	vadd.f32 v2, v5;
	v4 =	vand.u32 $0xFFFF0000, v9  }
0x147: {  	v9 =	vld [tilespmem:s0+$0xFFFFFFC0];
	v5 =	vadd.f32 v10, v7;
	v4 =	vadd.f32 v4, v6;
	v6 =	vshll.u32 v13, $0x10  }
0x148: {  	v10 =	vld [tilespmem:s0+$0xFFFFFFA0];
	v12 =	vadd.f32 v1, v3;
	v16 =	vadd.f32 v0, v2;
	v0 =	vand.u32 $0xFFFF0000, v13  }
0x149: {  	v13 =	vld [tilespmem:s0+$0xFFFFFF80];
	v18 =	vadd.f32 v6, v5;
	v19 =	vadd.f32 v0, v4  }
0x14a: {  	v1 =	vshll.u32 v17, $0x10;
	v0 =	vand.u32 $0xFFFF0000, v17;
	v20 =	vld [tilespmem:s0+$0xFFFFFF90]  }
0x14b: {  	s1 =	sadd.s32 $0x8, s1;
	v3 =	vshll.u32 v14, $0x10;
	v2 =	vand.u32 $0xFFFF0000, v14;
	v4 =	vshll.u32 v15, $0x10  }
0x14c: {  	p1 =	slt.u32 s1, $0xC0;
	v5 =	vand.u32 $0xFFFF0000, v15;
	v7 =	vshll.u32 v8, $0x10;
	v6 =	vand.u32 $0xFFFF0000, v8;
	v14 =	vld [tilespmem:s0+$0xFFFFFFB0]  }
0x14d: {  	v17 =	vshll.u32 v11, $0x10;
	v21 =	vand.u32 $0xFFFF0000, v11;
	v8 =	vshll.u32 v9, $0x10  }
0x14e: {  	v9 =	vand.u32 $0xFFFF0000, v9;
	v11 =	vshll.u32 v10, $0x10;
	v10 =	vand.u32 $0xFFFF0000, v10;
	v15 =	vld [tilespmem:s0+$0xFFFFFFD0]  }
0x14f: {  	v22 =	vshll.u32 v13, $0x10;
	v13 =	vand.u32 $0xFFFF0000, v13;
	v23 =	vshll.u32 v20, $0x10  }
0x150: {  	v12 =	vadd.f32 v22, v12;
	v13 =	vadd.f32 v13, v16;
	v16 =	vand.u32 $0xFFFF0000, v20;
	v20 =	vld [tilespmem:s0+$0xFFFFFFF0]  }
0x151: {  	v18 =	vadd.f32 v23, v18;
	v16 =	vadd.f32 v16, v19;
	v19 =	vshll.u32 v14, $0x10  }
.Ltmp6:
0x152: {  	v11 =	vadd.f32 v11, v12;
	v12 =	vadd.f32 v10, v13;
	v13 =	vand.u32 $0xFFFF0000, v14;
	v10 =	vld [tilespmem:s0+$0x10];
	(pc) =	sbr.rel @p1 .LBB2_11-.Ltmp6, $4  }
0x153: {  	v14 =	vadd.f32 v19, v18;
	v13 =	vadd.f32 v13, v16;
	v16 =	vshll.u32 v15, $0x10  }
0x154: {  	v18 =	vadd.f32 v8, v11;
	v9 =	vadd.f32 v9, v12;
	v11 =	vand.u32 $0xFFFF0000, v15;
	v8 =	vld [tilespmem:s0+$0x30]  }
0x155: {  	v12 =	vadd.f32 v16, v14;
	v11 =	vadd.f32 v11, v13;
	v15 =	vshll.u32 v20, $0x10  }
0x156: {  	s0 =	sadd.s32 $0x100, s0;
	v14 =	vadd.f32 v17, v18;
	v13 =	vadd.f32 v21, v9;
	v16 =	vand.u32 $0xFFFF0000, v20;
	v9 =	vld [tilespmem:s31+$0x50]  }
0x157: {  	_ = 	snop  }
0x158: {  	v12 =	vadd.f32 v15, v12;
	v7 =	vadd.f32 v7, v14  }
0x159: {  	v11 =	vadd.f32 v16, v11;
	v14 =	vshll.u32 v10, $0x10;
	v6 =	vadd.f32 v6, v13  }
0x15a: {  	v10 =	vand.u32 $0xFFFF0000, v10;
	v13 =	vld [tilespmem:s31+$0x70];
	v12 =	vadd.f32 v14, v12;
	v4 =	vadd.f32 v4, v7  }
0x15b: {  	v7 =	vadd.f32 v10, v11;
	v10 =	vshll.u32 v8, $0x10;
	v5 =	vadd.f32 v5, v6  }
0x15c: {  	v6 =	vand.u32 $0xFFFF0000, v8;
	v8 =	vadd.f32 v10, v12;
	v3 =	vadd.f32 v3, v4  }
0x15d: {  	v4 =	vadd.f32 v6, v7;
	v6 =	vshll.u32 v9, $0x10;
	v2 =	vadd.f32 v2, v5  }
0x15e: {  	v5 =	vand.u32 $0xFFFF0000, v9;
	v6 =	vadd.f32 v6, v8;
	v1 =	vadd.f32 v1, v3  }
0x15f: {  	v3 =	vadd.f32 v5, v4;
	v4 =	vshll.u32 v13, $0x10;
	v0 =	vadd.f32 v0, v2  }
0x160: {  	v2 =	vand.u32 $0xFFFF0000, v13;
	v4 =	vadd.f32 v4, v6;
	v1 =	vmul.f32 $4.999999890e-03, v1  }
0x161: {  	v2 =	vadd.f32 v2, v3;
	v0 =	vmul.f32 $4.999999890e-03, v0  }
0x162: {  	[tilespmem:s29+$0x12CC0] =	vst v1;
	v1 =	vmul.f32 $4.999999890e-03, v4  }
0x163: {  	[tilespmem:s29+$0x12CD0] =	vst v0;
	v0 =	vmul.f32 $4.999999890e-03, v2  }
0x164: {  	[tilespmem:s29+$0x12CE0] =	vst v1  }
0x165: {  	s0 =	sadd.s32 @!p0 $0x898, s30;
	s1 =	simm.s32 @!p0 $0x80;
	s31 =	simm.s32 @!p0 $0xAF00;
	[tilespmem:s29+$0x12CF0] =	vst v0  }
0x166: {  	[tilespmem:s31], [sflag:$0x4] =	stream.indirect.gather @!p0 [hbm4b:s3+s1], $0x20, s0, s1, $0xb8;
	[tilespmem:$0x14C00] =	vst v63  }
0x167: {  	s0 =	sadd.s32 @!p0 $0x918, s30;
	s1 =	simm.s32 @!p0 $0x48;
	s31 =	simm.s32 @!p0 $0xBF00  }
0x168: {  	[tilespmem:s31], [sflag:$0x4] =	stream.indirect.gather @!p0 [hbm4b:s3+s1], $0x20, s0, s1, $0xb8;
	[tilespmem:$0x14C00] =	vst v63  }
0x169: {  	_ =	swait.ge [sflag:s21], $0x1900  }
0x16a: {  	[sflag:s21] =	ssyncset.done $0x0  }
0x16b: {  	s31 =	simm.s32 $0xC880;
	[sflag:s21] =	ssyncadd.s32 $0xFFFFE700  }
0x16c: {  	v0 =	vld [tilespmem:s31+$0x60]  }
0x16d: {  	v2 =	vld [tilespmem:s31+$0x40]  }
0x16e: {  	v5 =	vld [tilespmem:s31+$0x20]  }
0x16f: {  	v6 =	vld [tilespmem:s31+$0x0]  }
0x170: {  	v8 =	vld [tilespmem:s31+$0xFFFFFFE0]  }
0x171: {  	v10 =	vld [tilespmem:s31+$0xFFFFFFA0]  }
0x172: {  	v11 =	vld [tilespmem:s31+$0xFFFFFF80]  }
0x173: {  	v13 =	vld [tilespmem:s31+$0xFFFFFF90]  }
0x174: {  	v12 =	vimm.f32 $0.0e+00;
	v1 =	vshll.u32 v0, $0x10;
	v0 =	vand.u32 $0xFFFF0000, v0  }
0x175: {  	v9 =	vld [tilespmem:s31+$0xFFFFFFC0];
	v4 =	vshll.u32 v5, $0x10;
	v3 =	vshll.u32 v2, $0x10;
	v2 =	vand.u32 $0xFFFF0000, v2  }
0x176: {  	v14 =	vld [tilespmem:s31+$0xFFFFFFB0];
	v7 =	vshll.u32 v6, $0x10;
	v6 =	vand.u32 $0xFFFF0000, v6;
	v5 =	vand.u32 $0xFFFF0000, v5  }
0x177: {  	v16 =	vshll.u32 v8, $0x10;
	v17 =	vand.u32 $0xFFFF0000, v8;
	v8 =	vshll.u32 v10, $0x10  }
0x178: {  	v18 =	vld [tilespmem:s31+$0xFFFFFFD0];
	v19 =	vshll.u32 v11, $0x10;
	v11 =	vand.u32 $0xFFFF0000, v11;
	v20 =	vshll.u32 v13, $0x10  }
0x179: {  	v13 =	vand.u32 $0xFFFF0000, v13;
	v19 =	vadd.f32 v19, v12;
	v11 =	vadd.f32 v11, v12  }
0x17a: {  	v21 =	vld [tilespmem:s31+$0xFFFFFFF0];
	v10 =	vand.u32 $0xFFFF0000, v10;
	v20 =	vadd.f32 v20, v12;
	v12 =	vadd.f32 v13, v12  }
0x17b: {  	v15 =	vshll.u32 v9, $0x10;
	v11 =	vadd.f32 v10, v11;
	v10 =	vand.u32 $0xFFFF0000, v14  }
0x17c: {  	v13 =	vshll.u32 v14, $0x10;
	v8 =	vadd.f32 v8, v19;
	v14 =	vadd.f32 v10, v12;
	v10 =	vld [tilespmem:s31+$0x10]  }
0x17d: {  	v9 =	vand.u32 $0xFFFF0000, v9;
	v13 =	vadd.f32 v13, v20;
	v12 =	vshll.u32 v18, $0x10  }
0x17e: {  	v19 =	vadd.f32 v15, v8;
	v9 =	vadd.f32 v9, v11;
	v11 =	vand.u32 $0xFFFF0000, v18;
	v8 =	vld [tilespmem:s31+$0x30]  }
0x17f: {  	v12 =	vadd.f32 v12, v13;
	v15 =	vshll.u32 v21, $0x10;
	v11 =	vadd.f32 v11, v14  }
0x180: {  	s1 =	simm.s32 $0x0;
	s0 =	simm.s32 $0xC980;
	v14 =	vadd.f32 v16, v19;
	v13 =	vadd.f32 v17, v9;
	v16 =	vand.u32 $0xFFFF0000, v21;
	v9 =	vld [tilespmem:s31+$0x50]  }
.LBB2_13:
0x181: {  	v17 =	vld [tilespmem:s0+$0x60];
	v12 =	vadd.f32 v15, v12;
	v11 =	vadd.f32 v16, v11;
	v15 =	vshll.u32 v10, $0x10  }
0x182: {  	v10 =	vand.u32 $0xFFFF0000, v10;
	v7 =	vadd.f32 v7, v14;
	v6 =	vadd.f32 v6, v13;
	v13 =	vld [tilespmem:s31+$0x70];
	s31 =	smov.u32 s0  }
0x183: {  	v14 =	vld [tilespmem:s0+$0x40];
	v12 =	vadd.f32 v15, v12;
	v10 =	vadd.f32 v10, v11;
	v11 =	vshll.u32 v8, $0x10  }
0x184: {  	v15 =	vld [tilespmem:s0+$0x20];
	v4 =	vadd.f32 v4, v7;
	v5 =	vadd.f32 v5, v6;
	v6 =	vand.u32 $0xFFFF0000, v8  }
0x185: {  	v8 =	vld [tilespmem:s0+$0x0];
	v7 =	vadd.f32 v11, v12;
	v6 =	vadd.f32 v6, v10;
	v10 =	vshll.u32 v9, $0x10  }
0x186: {  	v11 =	vld [tilespmem:s0+$0xFFFFFFE0];
	v3 =	vadd.f32 v3, v4;
	v2 =	vadd.f32 v2, v5;
	v4 =	vand.u32 $0xFFFF0000, v9  }
0x187: {  	v9 =	vld [tilespmem:s0+$0xFFFFFFC0];
	v5 =	vadd.f32 v10, v7;
	v4 =	vadd.f32 v4, v6;
	v6 =	vshll.u32 v13, $0x10  }
0x188: {  	v10 =	vld [tilespmem:s0+$0xFFFFFFA0];
	v12 =	vadd.f32 v1, v3;
	v16 =	vadd.f32 v0, v2;
	v0 =	vand.u32 $0xFFFF0000, v13  }
0x189: {  	v13 =	vld [tilespmem:s0+$0xFFFFFF80];
	v18 =	vadd.f32 v6, v5;
	v19 =	vadd.f32 v0, v4  }
0x18a: {  	v1 =	vshll.u32 v17, $0x10;
	v0 =	vand.u32 $0xFFFF0000, v17;
	v20 =	vld [tilespmem:s0+$0xFFFFFF90]  }
0x18b: {  	s1 =	sadd.s32 $0x8, s1;
	v3 =	vshll.u32 v14, $0x10;
	v2 =	vand.u32 $0xFFFF0000, v14;
	v4 =	vshll.u32 v15, $0x10  }
0x18c: {  	p1 =	slt.u32 s1, $0xC0;
	v5 =	vand.u32 $0xFFFF0000, v15;
	v7 =	vshll.u32 v8, $0x10;
	v6 =	vand.u32 $0xFFFF0000, v8;
	v14 =	vld [tilespmem:s0+$0xFFFFFFB0]  }
0x18d: {  	v17 =	vshll.u32 v11, $0x10;
	v21 =	vand.u32 $0xFFFF0000, v11;
	v8 =	vshll.u32 v9, $0x10  }
0x18e: {  	v9 =	vand.u32 $0xFFFF0000, v9;
	v11 =	vshll.u32 v10, $0x10;
	v10 =	vand.u32 $0xFFFF0000, v10;
	v15 =	vld [tilespmem:s0+$0xFFFFFFD0]  }
0x18f: {  	v22 =	vshll.u32 v13, $0x10;
	v13 =	vand.u32 $0xFFFF0000, v13;
	v23 =	vshll.u32 v20, $0x10  }
0x190: {  	v12 =	vadd.f32 v22, v12;
	v13 =	vadd.f32 v13, v16;
	v16 =	vand.u32 $0xFFFF0000, v20;
	v20 =	vld [tilespmem:s0+$0xFFFFFFF0]  }
0x191: {  	v18 =	vadd.f32 v23, v18;
	v16 =	vadd.f32 v16, v19;
	v19 =	vshll.u32 v14, $0x10  }
.Ltmp7:
0x192: {  	v11 =	vadd.f32 v11, v12;
	v12 =	vadd.f32 v10, v13;
	v13 =	vand.u32 $0xFFFF0000, v14;
	v10 =	vld [tilespmem:s0+$0x10];
	(pc) =	sbr.rel @p1 .LBB2_13-.Ltmp7, $4  }
0x193: {  	v14 =	vadd.f32 v19, v18;
	v13 =	vadd.f32 v13, v16;
	v16 =	vshll.u32 v15, $0x10  }
0x194: {  	v18 =	vadd.f32 v8, v11;
	v9 =	vadd.f32 v9, v12;
	v11 =	vand.u32 $0xFFFF0000, v15;
	v8 =	vld [tilespmem:s0+$0x30]  }
0x195: {  	v12 =	vadd.f32 v16, v14;
	v11 =	vadd.f32 v11, v13;
	v15 =	vshll.u32 v20, $0x10  }
0x196: {  	s0 =	sadd.s32 $0x100, s0;
	v14 =	vadd.f32 v17, v18;
	v13 =	vadd.f32 v21, v9;
	v16 =	vand.u32 $0xFFFF0000, v20;
	v9 =	vld [tilespmem:s31+$0x50]  }
0x197: {  	_ = 	snop  }
0x198: {  	v12 =	vadd.f32 v15, v12;
	v7 =	vadd.f32 v7, v14  }
0x199: {  	v11 =	vadd.f32 v16, v11;
	v14 =	vshll.u32 v10, $0x10;
	v6 =	vadd.f32 v6, v13  }
0x19a: {  	v10 =	vand.u32 $0xFFFF0000, v10;
	v13 =	vld [tilespmem:s31+$0x70];
	v12 =	vadd.f32 v14, v12;
	v4 =	vadd.f32 v4, v7  }
0x19b: {  	v7 =	vadd.f32 v10, v11;
	v10 =	vshll.u32 v8, $0x10;
	v5 =	vadd.f32 v5, v6  }
0x19c: {  	v6 =	vand.u32 $0xFFFF0000, v8;
	v8 =	vadd.f32 v10, v12;
	v3 =	vadd.f32 v3, v4  }
0x19d: {  	v4 =	vadd.f32 v6, v7;
	v6 =	vshll.u32 v9, $0x10;
	v2 =	vadd.f32 v2, v5  }
0x19e: {  	v5 =	vand.u32 $0xFFFF0000, v9;
	v6 =	vadd.f32 v6, v8;
	v1 =	vadd.f32 v1, v3  }
0x19f: {  	v3 =	vadd.f32 v5, v4;
	v4 =	vshll.u32 v13, $0x10;
	v0 =	vadd.f32 v0, v2  }
0x1a0: {  	v2 =	vand.u32 $0xFFFF0000, v13;
	v4 =	vadd.f32 v4, v6;
	v1 =	vmul.f32 $4.999999890e-03, v1  }
0x1a1: {  	v2 =	vadd.f32 v2, v3;
	v0 =	vmul.f32 $4.999999890e-03, v0  }
0x1a2: {  	[tilespmem:s29+$0x12D00] =	vst v1;
	v1 =	vmul.f32 $4.999999890e-03, v4  }
0x1a3: {  	[tilespmem:s29+$0x12D10] =	vst v0;
	v0 =	vmul.f32 $4.999999890e-03, v2  }
0x1a4: {  	[tilespmem:s29+$0x12D20] =	vst v1  }
0x1a5: {  	s0 =	sadd.s32 @!p0 $0x960, s30;
	s1 =	simm.s32 @!p0 $0x80;
	s31 =	simm.s32 @!p0 $0xC800;
	[tilespmem:s29+$0x12D30] =	vst v0  }
0x1a6: {  	[tilespmem:s31], [sflag:$0x5] =	stream.indirect.gather @!p0 [hbm4b:s3+s1], $0x20, s0, s1, $0xb8;
	[tilespmem:$0x14C00] =	vst v63  }
0x1a7: {  	s0 =	sadd.s32 @!p0 $0x9E0, s30;
	s1 =	simm.s32 @!p0 $0x48;
	s31 =	simm.s32 @!p0 $0xD800  }
0x1a8: {  	[tilespmem:s31], [sflag:$0x5] =	stream.indirect.gather @!p0 [hbm4b:s3+s1], $0x20, s0, s1, $0xb8;
	[tilespmem:$0x14C00] =	vst v63  }
0x1a9: {  	_ =	swait.ge [sflag:s22], $0x1900  }
0x1aa: {  	[sflag:s22] =	ssyncset.done $0x0  }
0x1ab: {  	s31 =	simm.s32 $0xE180;
	[sflag:s22] =	ssyncadd.s32 $0xFFFFE700  }
0x1ac: {  	v0 =	vld [tilespmem:s31+$0x60]  }
0x1ad: {  	v2 =	vld [tilespmem:s31+$0x40]  }
0x1ae: {  	v5 =	vld [tilespmem:s31+$0x20]  }
0x1af: {  	v6 =	vld [tilespmem:s31+$0x0]  }
0x1b0: {  	v8 =	vld [tilespmem:s31+$0xFFFFFFE0]  }
0x1b1: {  	v10 =	vld [tilespmem:s31+$0xFFFFFFA0]  }
0x1b2: {  	v11 =	vld [tilespmem:s31+$0xFFFFFF80]  }
0x1b3: {  	v13 =	vld [tilespmem:s31+$0xFFFFFF90]  }
0x1b4: {  	v12 =	vimm.f32 $0.0e+00;
	v1 =	vshll.u32 v0, $0x10;
	v0 =	vand.u32 $0xFFFF0000, v0  }
0x1b5: {  	v9 =	vld [tilespmem:s31+$0xFFFFFFC0];
	v4 =	vshll.u32 v5, $0x10;
	v3 =	vshll.u32 v2, $0x10;
	v2 =	vand.u32 $0xFFFF0000, v2  }
0x1b6: {  	v14 =	vld [tilespmem:s31+$0xFFFFFFB0];
	v7 =	vshll.u32 v6, $0x10;
	v6 =	vand.u32 $0xFFFF0000, v6;
	v5 =	vand.u32 $0xFFFF0000, v5  }
0x1b7: {  	v16 =	vshll.u32 v8, $0x10;
	v17 =	vand.u32 $0xFFFF0000, v8;
	v8 =	vshll.u32 v10, $0x10  }
0x1b8: {  	v18 =	vld [tilespmem:s31+$0xFFFFFFD0];
	v19 =	vshll.u32 v11, $0x10;
	v11 =	vand.u32 $0xFFFF0000, v11;
	v20 =	vshll.u32 v13, $0x10  }
0x1b9: {  	v13 =	vand.u32 $0xFFFF0000, v13;
	v19 =	vadd.f32 v19, v12;
	v11 =	vadd.f32 v11, v12  }
0x1ba: {  	v21 =	vld [tilespmem:s31+$0xFFFFFFF0];
	v10 =	vand.u32 $0xFFFF0000, v10;
	v20 =	vadd.f32 v20, v12;
	v12 =	vadd.f32 v13, v12  }
0x1bb: {  	v15 =	vshll.u32 v9, $0x10;
	v11 =	vadd.f32 v10, v11;
	v10 =	vand.u32 $0xFFFF0000, v14  }
0x1bc: {  	v13 =	vshll.u32 v14, $0x10;
	v8 =	vadd.f32 v8, v19;
	v14 =	vadd.f32 v10, v12;
	v10 =	vld [tilespmem:s31+$0x10]  }
0x1bd: {  	v9 =	vand.u32 $0xFFFF0000, v9;
	v13 =	vadd.f32 v13, v20;
	v12 =	vshll.u32 v18, $0x10  }
0x1be: {  	v19 =	vadd.f32 v15, v8;
	v9 =	vadd.f32 v9, v11;
	v11 =	vand.u32 $0xFFFF0000, v18;
	v8 =	vld [tilespmem:s31+$0x30]  }
0x1bf: {  	v12 =	vadd.f32 v12, v13;
	v15 =	vshll.u32 v21, $0x10;
	v11 =	vadd.f32 v11, v14  }
0x1c0: {  	s1 =	simm.s32 $0x0;
	s0 =	simm.s32 $0xE280;
	v14 =	vadd.f32 v16, v19;
	v13 =	vadd.f32 v17, v9;
	v16 =	vand.u32 $0xFFFF0000, v21;
	v9 =	vld [tilespmem:s31+$0x50]  }
.LBB2_15:
0x1c1: {  	v17 =	vld [tilespmem:s0+$0x60];
	v12 =	vadd.f32 v15, v12;
	v11 =	vadd.f32 v16, v11;
	v15 =	vshll.u32 v10, $0x10  }
0x1c2: {  	v10 =	vand.u32 $0xFFFF0000, v10;
	v7 =	vadd.f32 v7, v14;
	v6 =	vadd.f32 v6, v13;
	v13 =	vld [tilespmem:s31+$0x70];
	s31 =	smov.u32 s0  }
0x1c3: {  	v14 =	vld [tilespmem:s0+$0x40];
	v12 =	vadd.f32 v15, v12;
	v10 =	vadd.f32 v10, v11;
	v11 =	vshll.u32 v8, $0x10  }
0x1c4: {  	v15 =	vld [tilespmem:s0+$0x20];
	v4 =	vadd.f32 v4, v7;
	v5 =	vadd.f32 v5, v6;
	v6 =	vand.u32 $0xFFFF0000, v8  }
0x1c5: {  	v8 =	vld [tilespmem:s0+$0x0];
	v7 =	vadd.f32 v11, v12;
	v6 =	vadd.f32 v6, v10;
	v10 =	vshll.u32 v9, $0x10  }
0x1c6: {  	v11 =	vld [tilespmem:s0+$0xFFFFFFE0];
	v3 =	vadd.f32 v3, v4;
	v2 =	vadd.f32 v2, v5;
	v4 =	vand.u32 $0xFFFF0000, v9  }
0x1c7: {  	v9 =	vld [tilespmem:s0+$0xFFFFFFC0];
	v5 =	vadd.f32 v10, v7;
	v4 =	vadd.f32 v4, v6;
	v6 =	vshll.u32 v13, $0x10  }
0x1c8: {  	v10 =	vld [tilespmem:s0+$0xFFFFFFA0];
	v12 =	vadd.f32 v1, v3;
	v16 =	vadd.f32 v0, v2;
	v0 =	vand.u32 $0xFFFF0000, v13  }
0x1c9: {  	v13 =	vld [tilespmem:s0+$0xFFFFFF80];
	v18 =	vadd.f32 v6, v5;
	v19 =	vadd.f32 v0, v4  }
0x1ca: {  	v1 =	vshll.u32 v17, $0x10;
	v0 =	vand.u32 $0xFFFF0000, v17;
	v20 =	vld [tilespmem:s0+$0xFFFFFF90]  }
0x1cb: {  	s1 =	sadd.s32 $0x8, s1;
	v3 =	vshll.u32 v14, $0x10;
	v2 =	vand.u32 $0xFFFF0000, v14;
	v4 =	vshll.u32 v15, $0x10  }
0x1cc: {  	p1 =	slt.u32 s1, $0xC0;
	v5 =	vand.u32 $0xFFFF0000, v15;
	v7 =	vshll.u32 v8, $0x10;
	v6 =	vand.u32 $0xFFFF0000, v8;
	v14 =	vld [tilespmem:s0+$0xFFFFFFB0]  }
0x1cd: {  	v17 =	vshll.u32 v11, $0x10;
	v21 =	vand.u32 $0xFFFF0000, v11;
	v8 =	vshll.u32 v9, $0x10  }
0x1ce: {  	v9 =	vand.u32 $0xFFFF0000, v9;
	v11 =	vshll.u32 v10, $0x10;
	v10 =	vand.u32 $0xFFFF0000, v10;
	v15 =	vld [tilespmem:s0+$0xFFFFFFD0]  }
0x1cf: {  	v22 =	vshll.u32 v13, $0x10;
	v13 =	vand.u32 $0xFFFF0000, v13;
	v23 =	vshll.u32 v20, $0x10  }
0x1d0: {  	v12 =	vadd.f32 v22, v12;
	v13 =	vadd.f32 v13, v16;
	v16 =	vand.u32 $0xFFFF0000, v20;
	v20 =	vld [tilespmem:s0+$0xFFFFFFF0]  }
0x1d1: {  	v18 =	vadd.f32 v23, v18;
	v16 =	vadd.f32 v16, v19;
	v19 =	vshll.u32 v14, $0x10  }
.Ltmp8:
0x1d2: {  	v11 =	vadd.f32 v11, v12;
	v12 =	vadd.f32 v10, v13;
	v13 =	vand.u32 $0xFFFF0000, v14;
	v10 =	vld [tilespmem:s0+$0x10];
	(pc) =	sbr.rel @p1 .LBB2_15-.Ltmp8, $4  }
0x1d3: {  	v14 =	vadd.f32 v19, v18;
	v13 =	vadd.f32 v13, v16;
	v16 =	vshll.u32 v15, $0x10  }
0x1d4: {  	v18 =	vadd.f32 v8, v11;
	v9 =	vadd.f32 v9, v12;
	v11 =	vand.u32 $0xFFFF0000, v15;
	v8 =	vld [tilespmem:s0+$0x30]  }
0x1d5: {  	v12 =	vadd.f32 v16, v14;
	v11 =	vadd.f32 v11, v13;
	v15 =	vshll.u32 v20, $0x10  }
0x1d6: {  	s0 =	sadd.s32 $0x100, s0;
	v14 =	vadd.f32 v17, v18;
	v13 =	vadd.f32 v21, v9;
	v16 =	vand.u32 $0xFFFF0000, v20;
	v9 =	vld [tilespmem:s31+$0x50]  }
0x1d7: {  	_ = 	snop  }
0x1d8: {  	v12 =	vadd.f32 v15, v12;
	v7 =	vadd.f32 v7, v14  }
0x1d9: {  	v11 =	vadd.f32 v16, v11;
	v14 =	vshll.u32 v10, $0x10;
	v6 =	vadd.f32 v6, v13  }
0x1da: {  	v10 =	vand.u32 $0xFFFF0000, v10;
	v13 =	vld [tilespmem:s31+$0x70];
	v12 =	vadd.f32 v14, v12;
	v4 =	vadd.f32 v4, v7  }
0x1db: {  	v7 =	vadd.f32 v10, v11;
	v10 =	vshll.u32 v8, $0x10;
	v5 =	vadd.f32 v5, v6  }
0x1dc: {  	v6 =	vand.u32 $0xFFFF0000, v8;
	v8 =	vadd.f32 v10, v12;
	v3 =	vadd.f32 v3, v4  }
0x1dd: {  	v4 =	vadd.f32 v6, v7;
	v6 =	vshll.u32 v9, $0x10;
	v2 =	vadd.f32 v2, v5  }
0x1de: {  	v5 =	vand.u32 $0xFFFF0000, v9;
	v6 =	vadd.f32 v6, v8;
	v1 =	vadd.f32 v1, v3  }
0x1df: {  	v3 =	vadd.f32 v5, v4;
	v4 =	vshll.u32 v13, $0x10;
	v0 =	vadd.f32 v0, v2  }
0x1e0: {  	v2 =	vand.u32 $0xFFFF0000, v13;
	v4 =	vadd.f32 v4, v6;
	v1 =	vmul.f32 $4.999999890e-03, v1  }
0x1e1: {  	v2 =	vadd.f32 v2, v3;
	v0 =	vmul.f32 $4.999999890e-03, v0  }
0x1e2: {  	[tilespmem:s29+$0x12D40] =	vst v1;
	v1 =	vmul.f32 $4.999999890e-03, v4  }
0x1e3: {  	[tilespmem:s29+$0x12D50] =	vst v0;
	v0 =	vmul.f32 $4.999999890e-03, v2  }
0x1e4: {  	[tilespmem:s29+$0x12D60] =	vst v1  }
0x1e5: {  	s0 =	sadd.s32 @!p0 $0xA28, s30;
	s1 =	simm.s32 @!p0 $0x80;
	s31 =	simm.s32 @!p0 $0xE100;
	[tilespmem:s29+$0x12D70] =	vst v0  }
0x1e6: {  	[tilespmem:s31], [sflag:$0x6] =	stream.indirect.gather @!p0 [hbm4b:s3+s1], $0x20, s0, s1, $0xb8;
	[tilespmem:$0x14C00] =	vst v63  }
0x1e7: {  	s0 =	sadd.s32 @!p0 $0xAA8, s30;
	s1 =	simm.s32 @!p0 $0x48;
	s31 =	simm.s32 @!p0 $0xF100  }
0x1e8: {  	[tilespmem:s31], [sflag:$0x6] =	stream.indirect.gather @!p0 [hbm4b:s3+s1], $0x20, s0, s1, $0xb8;
	[tilespmem:$0x14C00] =	vst v63  }
0x1e9: {  	_ =	swait.ge [sflag:s23], $0x1900  }
0x1ea: {  	[sflag:s23] =	ssyncset.done $0x0  }
0x1eb: {  	s31 =	simm.s32 $0xFA80;
	[sflag:s23] =	ssyncadd.s32 $0xFFFFE700  }
0x1ec: {  	v0 =	vld [tilespmem:s31+$0x60]  }
0x1ed: {  	v2 =	vld [tilespmem:s31+$0x40]  }
0x1ee: {  	v5 =	vld [tilespmem:s31+$0x20]  }
0x1ef: {  	v6 =	vld [tilespmem:s31+$0x0]  }
0x1f0: {  	v8 =	vld [tilespmem:s31+$0xFFFFFFE0]  }
0x1f1: {  	v10 =	vld [tilespmem:s31+$0xFFFFFFA0]  }
0x1f2: {  	v11 =	vld [tilespmem:s31+$0xFFFFFF80]  }
0x1f3: {  	v13 =	vld [tilespmem:s31+$0xFFFFFF90]  }
0x1f4: {  	v12 =	vimm.f32 $0.0e+00;
	v1 =	vshll.u32 v0, $0x10;
	v0 =	vand.u32 $0xFFFF0000, v0  }
0x1f5: {  	v9 =	vld [tilespmem:s31+$0xFFFFFFC0];
	v4 =	vshll.u32 v5, $0x10;
	v3 =	vshll.u32 v2, $0x10;
	v2 =	vand.u32 $0xFFFF0000, v2  }
0x1f6: {  	v14 =	vld [tilespmem:s31+$0xFFFFFFB0];
	v7 =	vshll.u32 v6, $0x10;
	v6 =	vand.u32 $0xFFFF0000, v6;
	v5 =	vand.u32 $0xFFFF0000, v5  }
0x1f7: {  	v16 =	vshll.u32 v8, $0x10;
	v17 =	vand.u32 $0xFFFF0000, v8;
	v8 =	vshll.u32 v10, $0x10  }
0x1f8: {  	v18 =	vld [tilespmem:s31+$0xFFFFFFD0];
	v19 =	vshll.u32 v11, $0x10;
	v11 =	vand.u32 $0xFFFF0000, v11;
	v20 =	vshll.u32 v13, $0x10  }
0x1f9: {  	v13 =	vand.u32 $0xFFFF0000, v13;
	v19 =	vadd.f32 v19, v12;
	v11 =	vadd.f32 v11, v12  }
0x1fa: {  	v21 =	vld [tilespmem:s31+$0xFFFFFFF0];
	v10 =	vand.u32 $0xFFFF0000, v10;
	v20 =	vadd.f32 v20, v12;
	v12 =	vadd.f32 v13, v12  }
0x1fb: {  	v15 =	vshll.u32 v9, $0x10;
	v11 =	vadd.f32 v10, v11;
	v10 =	vand.u32 $0xFFFF0000, v14  }
0x1fc: {  	v13 =	vshll.u32 v14, $0x10;
	v8 =	vadd.f32 v8, v19;
	v14 =	vadd.f32 v10, v12;
	v10 =	vld [tilespmem:s31+$0x10]  }
0x1fd: {  	v9 =	vand.u32 $0xFFFF0000, v9;
	v13 =	vadd.f32 v13, v20;
	v12 =	vshll.u32 v18, $0x10  }
0x1fe: {  	v19 =	vadd.f32 v15, v8;
	v9 =	vadd.f32 v9, v11;
	v11 =	vand.u32 $0xFFFF0000, v18;
	v8 =	vld [tilespmem:s31+$0x30]  }
0x1ff: {  	v12 =	vadd.f32 v12, v13;
	v15 =	vshll.u32 v21, $0x10;
	v11 =	vadd.f32 v11, v14  }
0x200: {  	s1 =	simm.s32 $0x0;
	s0 =	simm.s32 $0xFB80;
	v14 =	vadd.f32 v16, v19;
	v13 =	vadd.f32 v17, v9;
	v16 =	vand.u32 $0xFFFF0000, v21;
	v9 =	vld [tilespmem:s31+$0x50]  }
.LBB2_17:
0x201: {  	v17 =	vld [tilespmem:s0+$0x60];
	v12 =	vadd.f32 v15, v12;
	v11 =	vadd.f32 v16, v11;
	v15 =	vshll.u32 v10, $0x10  }
0x202: {  	v10 =	vand.u32 $0xFFFF0000, v10;
	v7 =	vadd.f32 v7, v14;
	v6 =	vadd.f32 v6, v13;
	v13 =	vld [tilespmem:s31+$0x70];
	s31 =	smov.u32 s0  }
0x203: {  	v14 =	vld [tilespmem:s0+$0x40];
	v12 =	vadd.f32 v15, v12;
	v10 =	vadd.f32 v10, v11;
	v11 =	vshll.u32 v8, $0x10  }
0x204: {  	v15 =	vld [tilespmem:s0+$0x20];
	v4 =	vadd.f32 v4, v7;
	v5 =	vadd.f32 v5, v6;
	v6 =	vand.u32 $0xFFFF0000, v8  }
0x205: {  	v8 =	vld [tilespmem:s0+$0x0];
	v7 =	vadd.f32 v11, v12;
	v6 =	vadd.f32 v6, v10;
	v10 =	vshll.u32 v9, $0x10  }
0x206: {  	v11 =	vld [tilespmem:s0+$0xFFFFFFE0];
	v3 =	vadd.f32 v3, v4;
	v2 =	vadd.f32 v2, v5;
	v4 =	vand.u32 $0xFFFF0000, v9  }
0x207: {  	v9 =	vld [tilespmem:s0+$0xFFFFFFC0];
	v5 =	vadd.f32 v10, v7;
	v4 =	vadd.f32 v4, v6;
	v6 =	vshll.u32 v13, $0x10  }
0x208: {  	v10 =	vld [tilespmem:s0+$0xFFFFFFA0];
	v12 =	vadd.f32 v1, v3;
	v16 =	vadd.f32 v0, v2;
	v0 =	vand.u32 $0xFFFF0000, v13  }
0x209: {  	v13 =	vld [tilespmem:s0+$0xFFFFFF80];
	v18 =	vadd.f32 v6, v5;
	v19 =	vadd.f32 v0, v4  }
0x20a: {  	v1 =	vshll.u32 v17, $0x10;
	v0 =	vand.u32 $0xFFFF0000, v17;
	v20 =	vld [tilespmem:s0+$0xFFFFFF90]  }
0x20b: {  	s1 =	sadd.s32 $0x8, s1;
	v3 =	vshll.u32 v14, $0x10;
	v2 =	vand.u32 $0xFFFF0000, v14;
	v4 =	vshll.u32 v15, $0x10  }
0x20c: {  	p1 =	slt.u32 s1, $0xC0;
	v5 =	vand.u32 $0xFFFF0000, v15;
	v7 =	vshll.u32 v8, $0x10;
	v6 =	vand.u32 $0xFFFF0000, v8;
	v14 =	vld [tilespmem:s0+$0xFFFFFFB0]  }
0x20d: {  	v17 =	vshll.u32 v11, $0x10;
	v21 =	vand.u32 $0xFFFF0000, v11;
	v8 =	vshll.u32 v9, $0x10  }
0x20e: {  	v9 =	vand.u32 $0xFFFF0000, v9;
	v11 =	vshll.u32 v10, $0x10;
	v10 =	vand.u32 $0xFFFF0000, v10;
	v15 =	vld [tilespmem:s0+$0xFFFFFFD0]  }
0x20f: {  	v22 =	vshll.u32 v13, $0x10;
	v13 =	vand.u32 $0xFFFF0000, v13;
	v23 =	vshll.u32 v20, $0x10  }
0x210: {  	v12 =	vadd.f32 v22, v12;
	v13 =	vadd.f32 v13, v16;
	v16 =	vand.u32 $0xFFFF0000, v20;
	v20 =	vld [tilespmem:s0+$0xFFFFFFF0]  }
0x211: {  	v18 =	vadd.f32 v23, v18;
	v16 =	vadd.f32 v16, v19;
	v19 =	vshll.u32 v14, $0x10  }
.Ltmp9:
0x212: {  	v11 =	vadd.f32 v11, v12;
	v12 =	vadd.f32 v10, v13;
	v13 =	vand.u32 $0xFFFF0000, v14;
	v10 =	vld [tilespmem:s0+$0x10];
	(pc) =	sbr.rel @p1 .LBB2_17-.Ltmp9, $4  }
0x213: {  	v14 =	vadd.f32 v19, v18;
	v13 =	vadd.f32 v13, v16;
	v16 =	vshll.u32 v15, $0x10  }
0x214: {  	v18 =	vadd.f32 v8, v11;
	v9 =	vadd.f32 v9, v12;
	v11 =	vand.u32 $0xFFFF0000, v15;
	v8 =	vld [tilespmem:s0+$0x30]  }
0x215: {  	v12 =	vadd.f32 v16, v14;
	v11 =	vadd.f32 v11, v13;
	v15 =	vshll.u32 v20, $0x10  }
0x216: {  	s0 =	sadd.s32 $0x100, s0;
	v14 =	vadd.f32 v17, v18;
	v13 =	vadd.f32 v21, v9;
	v16 =	vand.u32 $0xFFFF0000, v20;
	v9 =	vld [tilespmem:s31+$0x50]  }
0x217: {  	_ = 	snop  }
0x218: {  	v12 =	vadd.f32 v15, v12;
	v7 =	vadd.f32 v7, v14  }
0x219: {  	v11 =	vadd.f32 v16, v11;
	v14 =	vshll.u32 v10, $0x10;
	v6 =	vadd.f32 v6, v13  }
0x21a: {  	v10 =	vand.u32 $0xFFFF0000, v10;
	v13 =	vld [tilespmem:s31+$0x70];
	v12 =	vadd.f32 v14, v12;
	v4 =	vadd.f32 v4, v7  }
0x21b: {  	v7 =	vadd.f32 v10, v11;
	v10 =	vshll.u32 v8, $0x10;
	v5 =	vadd.f32 v5, v6  }
0x21c: {  	v6 =	vand.u32 $0xFFFF0000, v8;
	v8 =	vadd.f32 v10, v12;
	v3 =	vadd.f32 v3, v4  }
0x21d: {  	v4 =	vadd.f32 v6, v7;
	v6 =	vshll.u32 v9, $0x10;
	v2 =	vadd.f32 v2, v5  }
0x21e: {  	v5 =	vand.u32 $0xFFFF0000, v9;
	v6 =	vadd.f32 v6, v8;
	v1 =	vadd.f32 v1, v3  }
0x21f: {  	v3 =	vadd.f32 v5, v4;
	v4 =	vshll.u32 v13, $0x10;
	v0 =	vadd.f32 v0, v2  }
0x220: {  	v2 =	vand.u32 $0xFFFF0000, v13;
	v4 =	vadd.f32 v4, v6;
	v1 =	vmul.f32 $4.999999890e-03, v1  }
0x221: {  	v2 =	vadd.f32 v2, v3;
	v0 =	vmul.f32 $4.999999890e-03, v0  }
0x222: {  	[tilespmem:s29+$0x12D80] =	vst v1;
	v1 =	vmul.f32 $4.999999890e-03, v4  }
0x223: {  	[tilespmem:s29+$0x12D90] =	vst v0;
	v0 =	vmul.f32 $4.999999890e-03, v2  }
0x224: {  	[tilespmem:s29+$0x12DA0] =	vst v1  }
0x225: {  	s0 =	sadd.s32 @!p0 $0xAF0, s30;
	s1 =	simm.s32 @!p0 $0x80;
	s31 =	simm.s32 @!p0 $0xFA00;
	[tilespmem:s29+$0x12DB0] =	vst v0  }
0x226: {  	[tilespmem:s31], [sflag:$0x7] =	stream.indirect.gather @!p0 [hbm4b:s3+s1], $0x20, s0, s1, $0xb8;
	[tilespmem:$0x14C00] =	vst v63  }
0x227: {  	s0 =	sadd.s32 @!p0 $0xB70, s30;
	s1 =	simm.s32 @!p0 $0x48;
	s30 =	simm.s32 @!p0 $0x10A00  }
0x228: {  	[tilespmem:s30], [sflag:$0x7] =	stream.indirect.gather @!p0 [hbm4b:s3+s1], $0x20, s0, s1, $0xb8;
	[tilespmem:$0x14C00] =	vst v63  }
0x229: {  	_ =	swait.ge [sflag:s24], $0x1900  }
0x22a: {  	[sflag:s24] =	ssyncset.done $0x0  }
0x22b: {  	s30 =	simm.s32 $0x11380;
	[sflag:s24] =	ssyncadd.s32 $0xFFFFE700  }
0x22c: {  	v0 =	vld [tilespmem:s30+$0x60]  }
0x22d: {  	v2 =	vld [tilespmem:s30+$0x40]  }
0x22e: {  	v5 =	vld [tilespmem:s30+$0x20]  }
0x22f: {  	v6 =	vld [tilespmem:s30+$0x0]  }
0x230: {  	v8 =	vld [tilespmem:s30+$0xFFFFFFE0]  }
0x231: {  	v10 =	vld [tilespmem:s30+$0xFFFFFFA0]  }
0x232: {  	v11 =	vld [tilespmem:s30+$0xFFFFFF80]  }
0x233: {  	v13 =	vld [tilespmem:s30+$0xFFFFFF90]  }
0x234: {  	v12 =	vimm.f32 $0.0e+00;
	v1 =	vshll.u32 v0, $0x10;
	v0 =	vand.u32 $0xFFFF0000, v0  }
0x235: {  	v9 =	vld [tilespmem:s30+$0xFFFFFFC0];
	v4 =	vshll.u32 v5, $0x10;
	v3 =	vshll.u32 v2, $0x10;
	v2 =	vand.u32 $0xFFFF0000, v2  }
0x236: {  	v14 =	vld [tilespmem:s30+$0xFFFFFFB0];
	v7 =	vshll.u32 v6, $0x10;
	v6 =	vand.u32 $0xFFFF0000, v6;
	v5 =	vand.u32 $0xFFFF0000, v5  }
0x237: {  	v16 =	vshll.u32 v8, $0x10;
	v17 =	vand.u32 $0xFFFF0000, v8;
	v8 =	vshll.u32 v10, $0x10  }
0x238: {  	v18 =	vld [tilespmem:s30+$0xFFFFFFD0];
	v19 =	vshll.u32 v11, $0x10;
	v11 =	vand.u32 $0xFFFF0000, v11;
	v20 =	vshll.u32 v13, $0x10  }
0x239: {  	v13 =	vand.u32 $0xFFFF0000, v13;
	v19 =	vadd.f32 v19, v12;
	v11 =	vadd.f32 v11, v12  }
0x23a: {  	v21 =	vld [tilespmem:s30+$0xFFFFFFF0];
	v10 =	vand.u32 $0xFFFF0000, v10;
	v20 =	vadd.f32 v20, v12;
	v12 =	vadd.f32 v13, v12  }
0x23b: {  	v15 =	vshll.u32 v9, $0x10;
	v11 =	vadd.f32 v10, v11;
	v10 =	vand.u32 $0xFFFF0000, v14  }
0x23c: {  	v13 =	vshll.u32 v14, $0x10;
	v8 =	vadd.f32 v8, v19;
	v14 =	vadd.f32 v10, v12;
	v10 =	vld [tilespmem:s30+$0x10]  }
0x23d: {  	v9 =	vand.u32 $0xFFFF0000, v9;
	v13 =	vadd.f32 v13, v20;
	v12 =	vshll.u32 v18, $0x10  }
0x23e: {  	v19 =	vadd.f32 v15, v8;
	v9 =	vadd.f32 v9, v11;
	v11 =	vand.u32 $0xFFFF0000, v18;
	v8 =	vld [tilespmem:s30+$0x30]  }
0x23f: {  	v12 =	vadd.f32 v12, v13;
	v15 =	vshll.u32 v21, $0x10;
	v11 =	vadd.f32 v11, v14  }
0x240: {  	s1 =	simm.s32 $0x0;
	s0 =	simm.s32 $0x11480;
	v14 =	vadd.f32 v16, v19;
	v13 =	vadd.f32 v17, v9;
	v16 =	vand.u32 $0xFFFF0000, v21;
	v9 =	vld [tilespmem:s30+$0x50]  }
.LBB2_19:
0x241: {  	v17 =	vld [tilespmem:s0+$0x60];
	v12 =	vadd.f32 v15, v12;
	v11 =	vadd.f32 v16, v11;
	v15 =	vshll.u32 v10, $0x10  }
0x242: {  	v10 =	vand.u32 $0xFFFF0000, v10;
	v7 =	vadd.f32 v7, v14;
	v6 =	vadd.f32 v6, v13;
	v13 =	vld [tilespmem:s30+$0x70];
	s30 =	smov.u32 s0  }
0x243: {  	v14 =	vld [tilespmem:s0+$0x40];
	v12 =	vadd.f32 v15, v12;
	v10 =	vadd.f32 v10, v11;
	v11 =	vshll.u32 v8, $0x10  }
0x244: {  	v15 =	vld [tilespmem:s0+$0x20];
	v4 =	vadd.f32 v4, v7;
	v5 =	vadd.f32 v5, v6;
	v6 =	vand.u32 $0xFFFF0000, v8  }
0x245: {  	v8 =	vld [tilespmem:s0+$0x0];
	v7 =	vadd.f32 v11, v12;
	v6 =	vadd.f32 v6, v10;
	v10 =	vshll.u32 v9, $0x10  }
0x246: {  	v11 =	vld [tilespmem:s0+$0xFFFFFFE0];
	v3 =	vadd.f32 v3, v4;
	v2 =	vadd.f32 v2, v5;
	v4 =	vand.u32 $0xFFFF0000, v9  }
0x247: {  	v9 =	vld [tilespmem:s0+$0xFFFFFFC0];
	v5 =	vadd.f32 v10, v7;
	v4 =	vadd.f32 v4, v6;
	v6 =	vshll.u32 v13, $0x10  }
0x248: {  	v10 =	vld [tilespmem:s0+$0xFFFFFFA0];
	v12 =	vadd.f32 v1, v3;
	v16 =	vadd.f32 v0, v2;
	v0 =	vand.u32 $0xFFFF0000, v13  }
0x249: {  	v13 =	vld [tilespmem:s0+$0xFFFFFF80];
	v18 =	vadd.f32 v6, v5;
	v19 =	vadd.f32 v0, v4  }
0x24a: {  	v1 =	vshll.u32 v17, $0x10;
	v0 =	vand.u32 $0xFFFF0000, v17;
	v20 =	vld [tilespmem:s0+$0xFFFFFF90]  }
0x24b: {  	s1 =	sadd.s32 $0x8, s1;
	v3 =	vshll.u32 v14, $0x10;
	v2 =	vand.u32 $0xFFFF0000, v14;
	v4 =	vshll.u32 v15, $0x10  }
0x24c: {  	p1 =	slt.u32 s1, $0xC0;
	v5 =	vand.u32 $0xFFFF0000, v15;
	v7 =	vshll.u32 v8, $0x10;
	v6 =	vand.u32 $0xFFFF0000, v8;
	v14 =	vld [tilespmem:s0+$0xFFFFFFB0]  }
0x24d: {  	v17 =	vshll.u32 v11, $0x10;
	v21 =	vand.u32 $0xFFFF0000, v11;
	v8 =	vshll.u32 v9, $0x10  }
0x24e: {  	v9 =	vand.u32 $0xFFFF0000, v9;
	v11 =	vshll.u32 v10, $0x10;
	v10 =	vand.u32 $0xFFFF0000, v10;
	v15 =	vld [tilespmem:s0+$0xFFFFFFD0]  }
0x24f: {  	v22 =	vshll.u32 v13, $0x10;
	v13 =	vand.u32 $0xFFFF0000, v13;
	v23 =	vshll.u32 v20, $0x10  }
0x250: {  	v12 =	vadd.f32 v22, v12;
	v13 =	vadd.f32 v13, v16;
	v16 =	vand.u32 $0xFFFF0000, v20;
	v20 =	vld [tilespmem:s0+$0xFFFFFFF0]  }
0x251: {  	v18 =	vadd.f32 v23, v18;
	v16 =	vadd.f32 v16, v19;
	v19 =	vshll.u32 v14, $0x10  }
.Ltmp10:
0x252: {  	v11 =	vadd.f32 v11, v12;
	v12 =	vadd.f32 v10, v13;
	v13 =	vand.u32 $0xFFFF0000, v14;
	v10 =	vld [tilespmem:s0+$0x10];
	(pc) =	sbr.rel @p1 .LBB2_19-.Ltmp10, $4  }
0x253: {  	v14 =	vadd.f32 v19, v18;
	v13 =	vadd.f32 v13, v16;
	v16 =	vshll.u32 v15, $0x10  }
0x254: {  	v18 =	vadd.f32 v8, v11;
	v9 =	vadd.f32 v9, v12;
	v11 =	vand.u32 $0xFFFF0000, v15;
	v8 =	vld [tilespmem:s0+$0x30]  }
0x255: {  	v12 =	vadd.f32 v16, v14;
	v11 =	vadd.f32 v11, v13;
	v15 =	vshll.u32 v20, $0x10  }
0x256: {  	s0 =	sadd.s32 $0x100, s0;
	v14 =	vadd.f32 v17, v18;
	v13 =	vadd.f32 v21, v9;
	v16 =	vand.u32 $0xFFFF0000, v20;
	v9 =	vld [tilespmem:s30+$0x50]  }
0x257: {  	_ = 	snop  }
0x258: {  	v12 =	vadd.f32 v15, v12;
	v7 =	vadd.f32 v7, v14  }
0x259: {  	v11 =	vadd.f32 v16, v11;
	v49 =	vshll.u32 v10, $0x10;
	v6 =	vadd.f32 v6, v13  }
0x25a: {  	v50 =	vand.u32 $0xFFFF0000, v10;
	v51 =	vld [tilespmem:s30+$0x70];
	v12 =	vadd.f32 v49, v12;
	v4 =	vadd.f32 v4, v7  }
0x25b: {  	v52 =	vadd.f32 v50, v11;
	v53 =	vshll.u32 v8, $0x10;
	v5 =	vadd.f32 v5, v6  }
0x25c: {  	v54 =	vand.u32 $0xFFFF0000, v8;
	v55 =	vadd.f32 v53, v12;
	v3 =	vadd.f32 v3, v4  }
0x25d: {  	v56 =	vadd.f32 v54, v52;
	v57 =	vshll.u32 v9, $0x10;
	v2 =	vadd.f32 v2, v5  }
0x25e: {  	v58 =	vand.u32 $0xFFFF0000, v9;
	v6 =	vadd.f32 v57, v55;
	v1 =	vadd.f32 v1, v3  }
0x25f: {  	v60 =	vshll.u32 v51, $0x10;
	v59 =	vadd.f32 v58, v56;
	v0 =	vadd.f32 v0, v2  }
0x260: {  	v61 =	vand.u32 $0xFFFF0000, v51;
	v4 =	vadd.f32 v60, v6;
	v1 =	vmul.f32 $4.999999890e-03, v1  }
.Ltmp11:
0x261: {  	v2 =	vadd.f32 v61, v59;
	v0 =	vmul.f32 $4.999999890e-03, v0;
	(pc) =	sbr.rel @p0 .LBB2_22-.Ltmp11, $4  }
0x262: {  	v62 =	vmul.f32 $4.999999890e-03, v4;
	[tilespmem:s29+$0x12DC0] =	vst v1  }
0x263: {  	v63 =	vmul.f32 $4.999999890e-03, v2;
	[tilespmem:s29+$0x12DD0] =	vst v0  }
0x264: {  	[tilespmem:s29+$0x12DE0] =	vst v62  }
0x265: {  	[tilespmem:s29+$0x12DF0] =	vst v63  }
0x266: {  	s0 =	smul.u32 $0x1900, s28;
	_ =	sdelay $0x1  }
.Ltmp12:
0x267: {  	s0 =	sshra.s32 s0, $0x2;
	(pc) =	sbr.rel .LBB2_4-.Ltmp12, $4  }
0x268: {  	s1 =	sadd.s32 $0xBB8, s0  }
0x269: {  	[tilespmem:s14], [sflag:$0x8] =	stream.indirect.gather [hbm4b:s3+s8], $0x20, s1, s8, $0xb8;
	[tilespmem:$0x14C00] =	vst v63  }
0x26a: {  	s28 =	sadd.s32 $0x1, s28;
	s0 =	sadd.s32 $0xC38, s0  }
0x26b: {  	[tilespmem:s16], [sflag:$0x8] =	stream.indirect.gather [hbm4b:s3+s10], $0x20, s0, s10, $0xb8;
	[tilespmem:$0x14C00] =	vst v63  }
.LBB2_23:
0x26c: {  	_ =	sfence.sel $0x180000  }
0x26d: {  	[bflag:$0x0] =	sbarrier.arrive $0xFFFF  }
0x26e: {  	_ =	strace $0x90000047  }
0x26f: {  	s0 =	stileid.u32;
	[bflag:$0x2] =	sbarrier.arrive $0xFFFF  }
0x270: {  	p0 =	sne.s32 s0, $0x0;
	s0 =	rddreg [dreg:$0x2]  }
0x271: {  	s0 =	sadd.s32 @!p0 $0x100000, s0  }
0x272: {  	[sflag:s0] =	ssyncadd.tile.s32 @!p0 $0x1;
	_ =	shalt  }
.Lfunc_end2:
_tile_overlayer_lowered:
.L_overlay_start_2:
0x273: {  	(tag) =	ssettag $0x2  }
0x274: {  	s0 =	rddreg [dreg:$0x0];
	s2 =	stileid.u32  }
0x275: {  	s1 =	rddreg [dreg:$0x1];
	p0 =	sne.s32 s2, $0x0  }
0x276: {  	s3 =	rddreg [dreg:$0x2];
	[bflag:$0x3] =	sbarrier.arrive $0xFFFF;
	s2 =	simm.s32 @!p0 $0x1C09  }
0x277: {  	[timem:s3], [sflag:s2] =	dma.local @!p0 [hbm:s0], s1  }
0x278: {  	s0 =	simm.s32 @!p0 $0x9  }
0x279: {  	_ =	swait.ge @!p0 [sflag:s0], s1  }
0x27a: {  	s1 =	ssub.s32 @!p0 $0x0, s1;
	[sflag:s0] =	ssyncset.done @!p0 $0x0  }
0x27b: {  	[sflag:s0] =	ssyncadd.s32 @!p0 s1  }
0x27c: {  	[bflag:$0x3] =	sbarrier.arrive $0xFFFF  }
0x27d: {  	_ =	shalt  }

</sc_bundles>
